<compile_context>
chip_gen: v7x
topology: tpu7x:2x2x1
jax: 0.10.2.dev20260603
libtpu: 0.0.44.dev20260713+nightly
codegen_flags: <defaults>
</compile_context>

<pallas_src>
import jax
import jax.numpy as jnp
from jax import lax
from jax.experimental import pallas as pl
from jax.experimental.pallas import tpu as pltpu
from jax.experimental.pallas import tpu_sc as plsc

_NUM_CORES = 2
_NUM_SUBCORES = 16
_NUM_WORKERS = _NUM_CORES * _NUM_SUBCORES
_LANES = 16


def _make_body(rows_per_worker, seq_len, n_out):
    groups = rows_per_worker // _LANES

    def body(idsT_hbm, coef_hbm, out_hbm, buf, coefv, outv):
        cid = lax.axis_index("c")
        sid = lax.axis_index("s")
        wid = sid * _NUM_CORES + cid
        base = wid * rows_per_worker
        pltpu.sync_copy(idsT_hbm.at[:, pl.ds(base, rows_per_worker)], buf)
        pltpu.sync_copy(coef_hbm, coefv)
        lane = lax.iota(jnp.int32, 16)

        byte_mask = jnp.full((16,), 0x01010101, jnp.int32)
        byte_sum = jnp.full((16,), 0x01010101, jnp.int32)

        def group(g, _):
            bb0 = g * _LANES
            zero = jnp.zeros((16,), jnp.int32)
            s0 = s1 = s01 = zero
            for st in range(seq_len // 4):
                l = 4 * st
                x0 = buf[l, pl.ds(bb0, 16)]
                x1 = buf[l + 1, pl.ds(bb0, 16)]
                x2 = buf[l + 2, pl.ds(bb0, 16)]
                x3 = buf[l + 3, pl.ds(bb0, 16)]
                p01 = plsc.pack(x0, x1, format=plsc.PackFormat.INTERLEAVED)
                p23 = plsc.pack(x2, x3, format=plsc.PackFormat.INTERLEAVED)
                c8 = plsc.pack(
                    p01, p23,
                    format=plsc.PackFormat.INTERLEAVED,
                    preferred_element_type=jnp.int8,
                )
                c = plsc.bitcast(c8, jnp.int32)
                t0 = c & byte_mask
                t1 = (c >> 1) & byte_mask
                s0 = s0 + t0
                s1 = s1 + t1
                s01 = s01 + (t0 & t1)

            def byte_total(v):
                return lax.shift_right_logical(v * byte_sum, 24).astype(jnp.float32)

            f0 = byte_total(s0)
            f1 = byte_total(s1)
            f01 = byte_total(s01)
            bb = g * _LANES + lane
            for j in range(n_out):
                v = coefv[pl.ds((4 * j) * 16, 16)] + coefv[pl.ds((4 * j + 1) * 16, 16)] * f0
                v = v + coefv[pl.ds((4 * j + 2) * 16, 16)] * f1 + coefv[pl.ds((4 * j + 3) * 16, 16)] * f01
                plsc.store_scatter(outv, [jnp.full((16,), j, jnp.int32), bb], v)
            return 0

        lax.fori_loop(0, groups, group, 0)
        pltpu.sync_copy(outv, out_hbm.at[:, pl.ds(base, rows_per_worker)])

    return body


def kernel(input_ids, embedding_table, dense_w):
    batch, seq_len = input_ids.shape
    n_out = dense_w.shape[1]
    assert batch % (_NUM_WORKERS * _LANES) == 0
    assert seq_len % 8 == 0
    assert seq_len // 4 < 256
    rows_per_worker = batch // _NUM_WORKERS

    m = embedding_table.astype(jnp.float32) @ dense_w.astype(jnp.float32)
    a = m[0]
    b = m[1] - m[0]
    c = m[2] - m[0]
    d = m[3] - m[1] - m[2] + m[0]
    k = seq_len * a
    coef = jnp.stack([k, b, c, d], axis=0).T.reshape(4 * n_out)
    coef = jnp.broadcast_to(coef[:, None], (4 * n_out, _LANES)).reshape(-1)

    ids_t = input_ids.astype(jnp.int32).T

    fn = pl.kernel(
        _make_body(rows_per_worker, seq_len, n_out),
        out_type=jax.ShapeDtypeStruct((n_out, batch), jnp.float32),
        mesh=plsc.VectorSubcoreMesh(
            core_axis_name="c",
            subcore_axis_name="s",
            num_cores=_NUM_CORES,
            num_subcores=_NUM_SUBCORES,
        ),
        scratch_types=[
            pltpu.VMEM((seq_len, rows_per_worker), jnp.int32),
            pltpu.VMEM((4 * n_out * _LANES,), jnp.float32),
            pltpu.VMEM((n_out, rows_per_worker), jnp.float32),
        ],
        compiler_params=pltpu.CompilerParams(
            use_tc_tiling_on_sc=True, needs_layout_passes=False
        ),
    )
    return fn(ids_t, coef).T

# --- scband reference (transcript-rebuilt; emitter-appended) ---
"""Pipeline reference for scband-simple-test-model-10222022164753 (READ-ONLY COPY).

The authoritative reference and input builder live on the scoring server;
editing this copy changes nothing except your own understanding.
"""

import jax, jax.numpy as jnp
import numpy as np


def setup_inputs(seed: int = 0) -> dict:
    key = jax.random.key(seed)
    k1, = jax.random.split(key, 1)
    input_ids = jax.random.randint(k1, (16384, 200), 0, 4, dtype=jnp.int64 if jax.config.jax_enable_x64 else jnp.int32)
    embedding_table = jnp.array([[0.0, 1.0], [0.0, 1.0], [0.0, 0.0], [-1.0, 1.0]], dtype=jnp.float32)
    kernel = jnp.array([[1.0, 0.0, 1.0], [0.0, 1.0, 1.0]], dtype=jnp.float32)
    return {"input_ids": input_ids, "embedding_table": embedding_table, "kernel": kernel}


def reference(input_ids, embedding_table, kernel):
    # Embedding lookup: [B, L] -> [B, L, 2]
    z = jnp.take(embedding_table, input_ids, axis=0)
    # Sum over sequence axis: [B, 2]
    z = jnp.sum(z, axis=1)
    # Dense (no bias): [B, 3]
    z = z @ kernel
    return z

if __name__ == "__main__":
    import jax
    _d = setup_inputs()
    print(jax.jit(kernel)(*tuple(_d.values())))

</pallas_src>

<mosaic_0001>
#map = affine_map<(d0, d1) -> (0, 0)>
#map1 = affine_map<(d0, d1) -> (0)>
module attributes {stable_mosaic.version = 14 : i64} {
  func.func @body(%arg0: i32, %arg1: i32, %arg2: memref<200x16384xi32, #tpu.memory_space<hbm>>, %arg3: memref<192xf32, #tpu.memory_space<hbm>>, %arg4: memref<3x16384xf32, #tpu.memory_space<hbm>>, %arg5: memref<200x512xi32, #tpu.memory_space<vmem>>, %arg6: memref<192xf32, #tpu.memory_space<vmem>>, %arg7: memref<3x512xf32, #tpu.memory_space<vmem>>) attributes {dimension_semantics = [#tpu.dimension_semantics<core_parallel>, #tpu.dimension_semantics<subcore_parallel>], iteration_bounds = array<i64: 2, 16>, scalar_prefetch = 0 : i64, scratch_operands = 3 : i64, tpu.core_type = #tpu.core_type<sc_vector_subcore>, window_params = [{transform_indices = #map}, {transform_indices = #map1}, {transform_indices = #map}]} {
    %mul3A = arith.constant 2 : i32
    %mul3A_0 = arith.muli %arg1, %mul3A : i32
    %add3A = arith.addi %mul3A_0, %arg0 : i32
    %mul3A_1 = arith.constant 512 : i32
    %mul3A_2 = arith.muli %add3A, %mul3A_1 : i32
    "tpu.region"() ({
      %run_scoped3A = tpu.sem_alloc : memref<!tpu.dma_semaphore, #tpu.memory_space<semaphore_mem>>
      %dma_start3A = arith.constant 0 : i32
      %dma_start3A_12 = tpu.memref_slice %arg2[%dma_start3A, %mul3A_2] : memref<200x16384xi32, #tpu.memory_space<hbm>> -> memref<200x512xi32, #tpu.memory_space<hbm>>
      %dma_start3A_13 = arith.constant 0 : i32
      %dma_start3A_14 = tpu.memref_slice %arg2[%dma_start3A_13, %mul3A_2] : memref<200x16384xi32, #tpu.memory_space<hbm>> -> memref<200x512xi32, #tpu.memory_space<hbm>>
      tpu.enqueue_dma source(%dma_start3A_14 : memref<200x512xi32, #tpu.memory_space<hbm>>) target(%arg5 : memref<200x512xi32, #tpu.memory_space<vmem>>) target_semaphore(%run_scoped3A : memref<!tpu.dma_semaphore, #tpu.memory_space<semaphore_mem>>)
      %dma_wait3A = arith.constant 0 : i32
      %dma_wait3A_15 = tpu.memref_slice %arg2[%dma_wait3A, %mul3A_2] : memref<200x16384xi32, #tpu.memory_space<hbm>> -> memref<200x512xi32, #tpu.memory_space<hbm>>
      %dma_wait3A_16 = arith.constant 0 : i32
      %dma_wait3A_17 = tpu.memref_slice %arg2[%dma_wait3A_16, %mul3A_2] : memref<200x16384xi32, #tpu.memory_space<hbm>> -> memref<200x512xi32, #tpu.memory_space<hbm>>
      tpu.wait_dma2 semaphore(%run_scoped3A : memref<!tpu.dma_semaphore, #tpu.memory_space<semaphore_mem>>) src(%dma_wait3A_17 : memref<200x512xi32, #tpu.memory_space<hbm>>) dst(%arg5 : memref<200x512xi32, #tpu.memory_space<vmem>>)
      tpu.yield
    }) : () -> ()
    "tpu.region"() ({
      %run_scoped3A = tpu.sem_alloc : memref<!tpu.dma_semaphore, #tpu.memory_space<semaphore_mem>>
      tpu.enqueue_dma source(%arg3 : memref<192xf32, #tpu.memory_space<hbm>>) target(%arg6 : memref<192xf32, #tpu.memory_space<vmem>>) target_semaphore(%run_scoped3A : memref<!tpu.dma_semaphore, #tpu.memory_space<semaphore_mem>>)
      tpu.wait_dma2 semaphore(%run_scoped3A : memref<!tpu.dma_semaphore, #tpu.memory_space<semaphore_mem>>) src(%arg3 : memref<192xf32, #tpu.memory_space<hbm>>) dst(%arg6 : memref<192xf32, #tpu.memory_space<vmem>>)
      tpu.yield
    }) : () -> ()
    %iota3A = tpu.iota {dimensions = array<i32: 0>} : vector<16xi32>
    %broadcast_in_dim3A = arith.constant 16843009 : i32
    %broadcast_in_dim3A_3 = vector.broadcast %broadcast_in_dim3A : i32 to vector<16xi32>
    %broadcast_in_dim3A_4 = arith.constant 16843009 : i32
    %broadcast_in_dim3A_5 = vector.broadcast %broadcast_in_dim3A_4 : i32 to vector<16xi32>
    %scan3A = arith.constant 0 : i32
    %scan3A_6 = arith.constant 0 : i32
    %scan3A_7 = arith.constant 32 : i32
    %scan3A_8 = arith.addi %scan3A_6, %scan3A_7 : i32
    %scan3A_9 = arith.constant 1 : i32
    %scan3A_10 = scf.for %scan3A_12 = %scan3A_6 to %scan3A_8 step %scan3A_9 iter_args(%scan3A_13 = %scan3A) -> (i32)  : i32 {
      %mul3A_14 = arith.constant 16 : i32
      %mul3A_15 = arith.muli %scan3A_12, %mul3A_14 : i32
      %broadcast_in_dim3A_16 = arith.constant 0 : i32
      %broadcast_in_dim3A_17 = vector.broadcast %broadcast_in_dim3A_16 : i32 to vector<16xi32>
      %get3A = arith.constant 0 : i32
      %get3A_18 = arith.index_cast %get3A : i32 to index
      %get3A_19 = arith.index_cast %mul3A_15 : i32 to index
      %get3A_20 = tpu.vector_load %arg5[%get3A_18, %get3A_19] {strides = array<i32>} : memref<200x512xi32, #tpu.memory_space<vmem>>, vector<16xi32>,
      %get3A_21 = arith.constant 1 : i32
      %get3A_22 = arith.index_cast %get3A_21 : i32 to index
      %get3A_23 = arith.index_cast %mul3A_15 : i32 to index
      %get3A_24 = tpu.vector_load %arg5[%get3A_22, %get3A_23] {strides = array<i32>} : memref<200x512xi32, #tpu.memory_space<vmem>>, vector<16xi32>,
      %get3A_25 = arith.constant 2 : i32
      %get3A_26 = arith.index_cast %get3A_25 : i32 to index
      %get3A_27 = arith.index_cast %mul3A_15 : i32 to index
      %get3A_28 = tpu.vector_load %arg5[%get3A_26, %get3A_27] {strides = array<i32>} : memref<200x512xi32, #tpu.memory_space<vmem>>, vector<16xi32>,
      %get3A_29 = arith.constant 3 : i32
      %get3A_30 = arith.index_cast %get3A_29 : i32 to index
      %get3A_31 = arith.index_cast %mul3A_15 : i32 to index
      %get3A_32 = tpu.vector_load %arg5[%get3A_30, %get3A_31] {strides = array<i32>} : memref<200x512xi32, #tpu.memory_space<vmem>>, vector<16xi32>,
      %pack3A = tpu.pack_subelements %get3A_20, %get3A_24 {pack_format = #tpu.pack_format<interleaved>, positions = array<i32: 0, 1>} : vector<16xi32>, vector<16xi32> -> vector<32xi16>
      %pack3A_33 = tpu.pack_subelements %get3A_28, %get3A_32 {pack_format = #tpu.pack_format<interleaved>, positions = array<i32: 0, 1>} : vector<16xi32>, vector<16xi32> -> vector<32xi16>
      %pack3A_34 = tpu.pack_subelements %pack3A, %pack3A_33 {pack_format = #tpu.pack_format<interleaved>, positions = array<i32: 0, 1>} : vector<32xi16>, vector<32xi16> -> vector<64xi8>
      %bitcast3A = vector.bitcast %pack3A_34 : vector<64xi8> to vector<16xi32>
      %and3A = arith.andi %bitcast3A, %broadcast_in_dim3A_3 : vector<16xi32>
      %shift_right_arithmetic3A = arith.constant 1 : i32
      %shift_right_arithmetic3A_35 = vector.broadcast %shift_right_arithmetic3A : i32 to vector<16xi32>
      %shift_right_arithmetic3A_36 = arith.shrsi %bitcast3A, %shift_right_arithmetic3A_35 : vector<16xi32>
      %and3A_37 = arith.andi %shift_right_arithmetic3A_36, %broadcast_in_dim3A_3 : vector<16xi32>
      %add3A_38 = arith.addi %broadcast_in_dim3A_17, %and3A : vector<16xi32>
      %add3A_39 = arith.addi %broadcast_in_dim3A_17, %and3A_37 : vector<16xi32>
      %and3A_40 = arith.andi %and3A, %and3A_37 : vector<16xi32>
      %add3A_41 = arith.addi %broadcast_in_dim3A_17, %and3A_40 : vector<16xi32>
      %get3A_42 = arith.constant 4 : i32
      %get3A_43 = arith.index_cast %get3A_42 : i32 to index
      %get3A_44 = arith.index_cast %mul3A_15 : i32 to index
      %get3A_45 = tpu.vector_load %arg5[%get3A_43, %get3A_44] {strides = array<i32>} : memref<200x512xi32, #tpu.memory_space<vmem>>, vector<16xi32>,
      %get3A_46 = arith.constant 5 : i32
      %get3A_47 = arith.index_cast %get3A_46 : i32 to index
      %get3A_48 = arith.index_cast %mul3A_15 : i32 to index
      %get3A_49 = tpu.vector_load %arg5[%get3A_47, %get3A_48] {strides = array<i32>} : memref<200x512xi32, #tpu.memory_space<vmem>>, vector<16xi32>,
      %get3A_50 = arith.constant 6 : i32
      %get3A_51 = arith.index_cast %get3A_50 : i32 to index
      %get3A_52 = arith.index_cast %mul3A_15 : i32 to index
      %get3A_53 = tpu.vector_load %arg5[%get3A_51, %get3A_52] {strides = array<i32>} : memref<200x512xi32, #tpu.memory_space<vmem>>, vector<16xi32>,
      %get3A_54 = arith.constant 7 : i32
      %get3A_55 = arith.index_cast %get3A_54 : i32 to index
      %get3A_56 = arith.index_cast %mul3A_15 : i32 to index
      %get3A_57 = tpu.vector_load %arg5[%get3A_55, %get3A_56] {strides = array<i32>} : memref<200x512xi32, #tpu.memory_space<vmem>>, vector<16xi32>,
      %pack3A_58 = tpu.pack_subelements %get3A_45, %get3A_49 {pack_format = #tpu.pack_format<interleaved>, positions = array<i32: 0, 1>} : vector<16xi32>, vector<16xi32> -> vector<32xi16>
      %pack3A_59 = tpu.pack_subelements %get3A_53, %get3A_57 {pack_format = #tpu.pack_format<interleaved>, positions = array<i32: 0, 1>} : vector<16xi32>, vector<16xi32> -> vector<32xi16>
      %pack3A_60 = tpu.pack_subelements %pack3A_58, %pack3A_59 {pack_format = #tpu.pack_format<interleaved>, positions = array<i32: 0, 1>} : vector<32xi16>, vector<32xi16> -> vector<64xi8>
      %bitcast3A_61 = vector.bitcast %pack3A_60 : vector<64xi8> to vector<16xi32>
      %and3A_62 = arith.andi %bitcast3A_61, %broadcast_in_dim3A_3 : vector<16xi32>
      %shift_right_arithmetic3A_63 = arith.constant 1 : i32
      %shift_right_arithmetic3A_64 = vector.broadcast %shift_right_arithmetic3A_63 : i32 to vector<16xi32>
      %shift_right_arithmetic3A_65 = arith.shrsi %bitcast3A_61, %shift_right_arithmetic3A_64 : vector<16xi32>
      %and3A_66 = arith.andi %shift_right_arithmetic3A_65, %broadcast_in_dim3A_3 : vector<16xi32>
      %add3A_67 = arith.addi %add3A_38, %and3A_62 : vector<16xi32>
      %add3A_68 = arith.addi %add3A_39, %and3A_66 : vector<16xi32>
      %and3A_69 = arith.andi %and3A_62, %and3A_66 : vector<16xi32>
      %add3A_70 = arith.addi %add3A_41, %and3A_69 : vector<16xi32>
      %get3A_71 = arith.constant 8 : i32
      %get3A_72 = arith.index_cast %get3A_71 : i32 to index
      %get3A_73 = arith.index_cast %mul3A_15 : i32 to index
      %get3A_74 = tpu.vector_load %arg5[%get3A_72, %get3A_73] {strides = array<i32>} : memref<200x512xi32, #tpu.memory_space<vmem>>, vector<16xi32>,
      %get3A_75 = arith.constant 9 : i32
      %get3A_76 = arith.index_cast %get3A_75 : i32 to index
      %get3A_77 = arith.index_cast %mul3A_15 : i32 to index
      %get3A_78 = tpu.vector_load %arg5[%get3A_76, %get3A_77] {strides = array<i32>} : memref<200x512xi32, #tpu.memory_space<vmem>>, vector<16xi32>,
      %get3A_79 = arith.constant 10 : i32
      %get3A_80 = arith.index_cast %get3A_79 : i32 to index
      %get3A_81 = arith.index_cast %mul3A_15 : i32 to index
      %get3A_82 = tpu.vector_load %arg5[%get3A_80, %get3A_81] {strides = array<i32>} : memref<200x512xi32, #tpu.memory_space<vmem>>, vector<16xi32>,
      %get3A_83 = arith.constant 11 : i32
      %get3A_84 = arith.index_cast %get3A_83 : i32 to index
      %get3A_85 = arith.index_cast %mul3A_15 : i32 to index
      %get3A_86 = tpu.vector_load %arg5[%get3A_84, %get3A_85] {strides = array<i32>} : memref<200x512xi32, #tpu.memory_space<vmem>>, vector<16xi32>,
      %pack3A_87 = tpu.pack_subelements %get3A_74, %get3A_78 {pack_format = #tpu.pack_format<interleaved>, positions = array<i32: 0, 1>} : vector<16xi32>, vector<16xi32> -> vector<32xi16>
      %pack3A_88 = tpu.pack_subelements %get3A_82, %get3A_86 {pack_format = #tpu.pack_format<interleaved>, positions = array<i32: 0, 1>} : vector<16xi32>, vector<16xi32> -> vector<32xi16>
      %pack3A_89 = tpu.pack_subelements %pack3A_87, %pack3A_88 {pack_format = #tpu.pack_format<interleaved>, positions = array<i32: 0, 1>} : vector<32xi16>, vector<32xi16> -> vector<64xi8>
      %bitcast3A_90 = vector.bitcast %pack3A_89 : vector<64xi8> to vector<16xi32>
      %and3A_91 = arith.andi %bitcast3A_90, %broadcast_in_dim3A_3 : vector<16xi32>
      %shift_right_arithmetic3A_92 = arith.constant 1 : i32
      %shift_right_arithmetic3A_93 = vector.broadcast %shift_right_arithmetic3A_92 : i32 to vector<16xi32>
      %shift_right_arithmetic3A_94 = arith.shrsi %bitcast3A_90, %shift_right_arithmetic3A_93 : vector<16xi32>
      %and3A_95 = arith.andi %shift_right_arithmetic3A_94, %broadcast_in_dim3A_3 : vector<16xi32>
      %add3A_96 = arith.addi %add3A_67, %and3A_91 : vector<16xi32>
      %add3A_97 = arith.addi %add3A_68, %and3A_95 : vector<16xi32>
      %and3A_98 = arith.andi %and3A_91, %and3A_95 : vector<16xi32>
      %add3A_99 = arith.addi %add3A_70, %and3A_98 : vector<16xi32>
      %get3A_100 = arith.constant 12 : i32
      %get3A_101 = arith.index_cast %get3A_100 : i32 to index
      %get3A_102 = arith.index_cast %mul3A_15 : i32 to index
      %get3A_103 = tpu.vector_load %arg5[%get3A_101, %get3A_102] {strides = array<i32>} : memref<200x512xi32, #tpu.memory_space<vmem>>, vector<16xi32>,
      %get3A_104 = arith.constant 13 : i32
      %get3A_105 = arith.index_cast %get3A_104 : i32 to index
      %get3A_106 = arith.index_cast %mul3A_15 : i32 to index
      %get3A_107 = tpu.vector_load %arg5[%get3A_105, %get3A_106] {strides = array<i32>} : memref<200x512xi32, #tpu.memory_space<vmem>>, vector<16xi32>,
      %get3A_108 = arith.constant 14 : i32
      %get3A_109 = arith.index_cast %get3A_108 : i32 to index
      %get3A_110 = arith.index_cast %mul3A_15 : i32 to index
      %get3A_111 = tpu.vector_load %arg5[%get3A_109, %get3A_110] {strides = array<i32>} : memref<200x512xi32, #tpu.memory_space<vmem>>, vector<16xi32>,
      %get3A_112 = arith.constant 15 : i32
      %get3A_113 = arith.index_cast %get3A_112 : i32 to index
      %get3A_114 = arith.index_cast %mul3A_15 : i32 to index
      %get3A_115 = tpu.vector_load %arg5[%get3A_113, %get3A_114] {strides = array<i32>} : memref<200x512xi32, #tpu.memory_space<vmem>>, vector<16xi32>,
      %pack3A_116 = tpu.pack_subelements %get3A_103, %get3A_107 {pack_format = #tpu.pack_format<interleaved>, positions = array<i32: 0, 1>} : vector<16xi32>, vector<16xi32> -> vector<32xi16>
      %pack3A_117 = tpu.pack_subelements %get3A_111, %get3A_115 {pack_format = #tpu.pack_format<interleaved>, positions = array<i32: 0, 1>} : vector<16xi32>, vector<16xi32> -> vector<32xi16>
      %pack3A_118 = tpu.pack_subelements %pack3A_116, %pack3A_117 {pack_format = #tpu.pack_format<interleaved>, positions = array<i32: 0, 1>} : vector<32xi16>, vector<32xi16> -> vector<64xi8>
      %bitcast3A_119 = vector.bitcast %pack3A_118 : vector<64xi8> to vector<16xi32>
      %and3A_120 = arith.andi %bitcast3A_119, %broadcast_in_dim3A_3 : vector<16xi32>
      %shift_right_arithmetic3A_121 = arith.constant 1 : i32
      %shift_right_arithmetic3A_122 = vector.broadcast %shift_right_arithmetic3A_121 : i32 to vector<16xi32>
      %shift_right_arithmetic3A_123 = arith.shrsi %bitcast3A_119, %shift_right_arithmetic3A_122 : vector<16xi32>
      %and3A_124 = arith.andi %shift_right_arithmetic3A_123, %broadcast_in_dim3A_3 : vector<16xi32>
      %add3A_125 = arith.addi %add3A_96, %and3A_120 : vector<16xi32>
      %add3A_126 = arith.addi %add3A_97, %and3A_124 : vector<16xi32>
      %and3A_127 = arith.andi %and3A_120, %and3A_124 : vector<16xi32>
      %add3A_128 = arith.addi %add3A_99, %and3A_127 : vector<16xi32>
      %get3A_129 = arith.constant 16 : i32
      %get3A_130 = arith.index_cast %get3A_129 : i32 to index
      %get3A_131 = arith.index_cast %mul3A_15 : i32 to index
      %get3A_132 = tpu.vector_load %arg5[%get3A_130, %get3A_131] {strides = array<i32>} : memref<200x512xi32, #tpu.memory_space<vmem>>, vector<16xi32>,
      %get3A_133 = arith.constant 17 : i32
      %get3A_134 = arith.index_cast %get3A_133 : i32 to index
      %get3A_135 = arith.index_cast %mul3A_15 : i32 to index
      %get3A_136 = tpu.vector_load %arg5[%get3A_134, %get3A_135] {strides = array<i32>} : memref<200x512xi32, #tpu.memory_space<vmem>>, vector<16xi32>,
      %get3A_137 = arith.constant 18 : i32
      %get3A_138 = arith.index_cast %get3A_137 : i32 to index
      %get3A_139 = arith.index_cast %mul3A_15 : i32 to index
      %get3A_140 = tpu.vector_load %arg5[%get3A_138, %get3A_139] {strides = array<i32>} : memref<200x512xi32, #tpu.memory_space<vmem>>, vector<16xi32>,
      %get3A_141 = arith.constant 19 : i32
      %get3A_142 = arith.index_cast %get3A_141 : i32 to index
      %get3A_143 = arith.index_cast %mul3A_15 : i32 to index
      %get3A_144 = tpu.vector_load %arg5[%get3A_142, %get3A_143] {strides = array<i32>} : memref<200x512xi32, #tpu.memory_space<vmem>>, vector<16xi32>,
      %pack3A_145 = tpu.pack_subelements %get3A_132, %get3A_136 {pack_format = #tpu.pack_format<interleaved>, positions = array<i32: 0, 1>} : vector<16xi32>, vector<16xi32> -> vector<32xi16>
      %pack3A_146 = tpu.pack_subelements %get3A_140, %get3A_144 {pack_format = #tpu.pack_format<interleaved>, positions = array<i32: 0, 1>} : vector<16xi32>, vector<16xi32> -> vector<32xi16>
      %pack3A_147 = tpu.pack_subelements %pack3A_145, %pack3A_146 {pack_format = #tpu.pack_format<interleaved>, positions = array<i32: 0, 1>} : vector<32xi16>, vector<32xi16> -> vector<64xi8>
      %bitcast3A_148 = vector.bitcast %pack3A_147 : vector<64xi8> to vector<16xi32>
      %and3A_149 = arith.andi %bitcast3A_148, %broadcast_in_dim3A_3 : vector<16xi32>
      %shift_right_arithmetic3A_150 = arith.constant 1 : i32
      %shift_right_arithmetic3A_151 = vector.broadcast %shift_right_arithmetic3A_150 : i32 to vector<16xi32>
      %shift_right_arithmetic3A_152 = arith.shrsi %bitcast3A_148, %shift_right_arithmetic3A_151 : vector<16xi32>
      %and3A_153 = arith.andi %shift_right_arithmetic3A_152, %broadcast_in_dim3A_3 : vector<16xi32>
      %add3A_154 = arith.addi %add3A_125, %and3A_149 : vector<16xi32>
      %add3A_155 = arith.addi %add3A_126, %and3A_153 : vector<16xi32>
      %and3A_156 = arith.andi %and3A_149, %and3A_153 : vector<16xi32>
      %add3A_157 = arith.addi %add3A_128, %and3A_156 : vector<16xi32>
      %get3A_158 = arith.constant 20 : i32
      %get3A_159 = arith.index_cast %get3A_158 : i32 to index
      %get3A_160 = arith.index_cast %mul3A_15 : i32 to index
      %get3A_161 = tpu.vector_load %arg5[%get3A_159, %get3A_160] {strides = array<i32>} : memref<200x512xi32, #tpu.memory_space<vmem>>, vector<16xi32>,
      %get3A_162 = arith.constant 21 : i32
      %get3A_163 = arith.index_cast %get3A_162 : i32 to index
      %get3A_164 = arith.index_cast %mul3A_15 : i32 to index
      %get3A_165 = tpu.vector_load %arg5[%get3A_163, %get3A_164] {strides = array<i32>} : memref<200x512xi32, #tpu.memory_space<vmem>>, vector<16xi32>,
      %get3A_166 = arith.constant 22 : i32
      %get3A_167 = arith.index_cast %get3A_166 : i32 to index
      %get3A_168 = arith.index_cast %mul3A_15 : i32 to index
      %get3A_169 = tpu.vector_load %arg5[%get3A_167, %get3A_168] {strides = array<i32>} : memref<200x512xi32, #tpu.memory_space<vmem>>, vector<16xi32>,
      %get3A_170 = arith.constant 23 : i32
      %get3A_171 = arith.index_cast %get3A_170 : i32 to index
      %get3A_172 = arith.index_cast %mul3A_15 : i32 to index
      %get3A_173 = tpu.vector_load %arg5[%get3A_171, %get3A_172] {strides = array<i32>} : memref<200x512xi32, #tpu.memory_space<vmem>>, vector<16xi32>,
      %pack3A_174 = tpu.pack_subelements %get3A_161, %get3A_165 {pack_format = #tpu.pack_format<interleaved>, positions = array<i32: 0, 1>} : vector<16xi32>, vector<16xi32> -> vector<32xi16>
      %pack3A_175 = tpu.pack_subelements %get3A_169, %get3A_173 {pack_format = #tpu.pack_format<interleaved>, positions = array<i32: 0, 1>} : vector<16xi32>, vector<16xi32> -> vector<32xi16>
      %pack3A_176 = tpu.pack_subelements %pack3A_174, %pack3A_175 {pack_format = #tpu.pack_format<interleaved>, positions = array<i32: 0, 1>} : vector<32xi16>, vector<32xi16> -> vector<64xi8>
      %bitcast3A_177 = vector.bitcast %pack3A_176 : vector<64xi8> to vector<16xi32>
      %and3A_178 = arith.andi %bitcast3A_177, %broadcast_in_dim3A_3 : vector<16xi32>
      %shift_right_arithmetic3A_179 = arith.constant 1 : i32
      %shift_right_arithmetic3A_180 = vector.broadcast %shift_right_arithmetic3A_179 : i32 to vector<16xi32>
      %shift_right_arithmetic3A_181 = arith.shrsi %bitcast3A_177, %shift_right_arithmetic3A_180 : vector<16xi32>
      %and3A_182 = arith.andi %shift_right_arithmetic3A_181, %broadcast_in_dim3A_3 : vector<16xi32>
      %add3A_183 = arith.addi %add3A_154, %and3A_178 : vector<16xi32>
      %add3A_184 = arith.addi %add3A_155, %and3A_182 : vector<16xi32>
      %and3A_185 = arith.andi %and3A_178, %and3A_182 : vector<16xi32>
      %add3A_186 = arith.addi %add3A_157, %and3A_185 : vector<16xi32>
      %get3A_187 = arith.constant 24 : i32
      %get3A_188 = arith.index_cast %get3A_187 : i32 to index
      %get3A_189 = arith.index_cast %mul3A_15 : i32 to index
      %get3A_190 = tpu.vector_load %arg5[%get3A_188, %get3A_189] {strides = array<i32>} : memref<200x512xi32, #tpu.memory_space<vmem>>, vector<16xi32>,
      %get3A_191 = arith.constant 25 : i32
      %get3A_192 = arith.index_cast %get3A_191 : i32 to index
      %get3A_193 = arith.index_cast %mul3A_15 : i32 to index
      %get3A_194 = tpu.vector_load %arg5[%get3A_192, %get3A_193] {strides = array<i32>} : memref<200x512xi32, #tpu.memory_space<vmem>>, vector<16xi32>,
      %get3A_195 = arith.constant 26 : i32
      %get3A_196 = arith.index_cast %get3A_195 : i32 to index
      %get3A_197 = arith.index_cast %mul3A_15 : i32 to index
      %get3A_198 = tpu.vector_load %arg5[%get3A_196, %get3A_197] {strides = array<i32>} : memref<200x512xi32, #tpu.memory_space<vmem>>, vector<16xi32>,
      %get3A_199 = arith.constant 27 : i32
      %get3A_200 = arith.index_cast %get3A_199 : i32 to index
      %get3A_201 = arith.index_cast %mul3A_15 : i32 to index
      %get3A_202 = tpu.vector_load %arg5[%get3A_200, %get3A_201] {strides = array<i32>} : memref<200x512xi32, #tpu.memory_space<vmem>>, vector<16xi32>,
      %pack3A_203 = tpu.pack_subelements %get3A_190, %get3A_194 {pack_format = #tpu.pack_format<interleaved>, positions = array<i32: 0, 1>} : vector<16xi32>, vector<16xi32> -> vector<32xi16>
      %pack3A_204 = tpu.pack_subelements %get3A_198, %get3A_202 {pack_format = #tpu.pack_format<interleaved>, positions = array<i32: 0, 1>} : vector<16xi32>, vector<16xi32> -> vector<32xi16>
      %pack3A_205 = tpu.pack_subelements %pack3A_203, %pack3A_204 {pack_format = #tpu.pack_format<interleaved>, positions = array<i32: 0, 1>} : vector<32xi16>, vector<32xi16> -> vector<64xi8>
      %bitcast3A_206 = vector.bitcast %pack3A_205 : vector<64xi8> to vector<16xi32>
      %and3A_207 = arith.andi %bitcast3A_206, %broadcast_in_dim3A_3 : vector<16xi32>
      %shift_right_arithmetic3A_208 = arith.constant 1 : i32
      %shift_right_arithmetic3A_209 = vector.broadcast %shift_right_arithmetic3A_208 : i32 to vector<16xi32>
      %shift_right_arithmetic3A_210 = arith.shrsi %bitcast3A_206, %shift_right_arithmetic3A_209 : vector<16xi32>
      %and3A_211 = arith.andi %shift_right_arithmetic3A_210, %broadcast_in_dim3A_3 : vector<16xi32>
      %add3A_212 = arith.addi %add3A_183, %and3A_207 : vector<16xi32>
      %add3A_213 = arith.addi %add3A_184, %and3A_211 : vector<16xi32>
      %and3A_214 = arith.andi %and3A_207, %and3A_211 : vector<16xi32>
      %add3A_215 = arith.addi %add3A_186, %and3A_214 : vector<16xi32>
      %get3A_216 = arith.constant 28 : i32
      %get3A_217 = arith.index_cast %get3A_216 : i32 to index
      %get3A_218 = arith.index_cast %mul3A_15 : i32 to index
      %get3A_219 = tpu.vector_load %arg5[%get3A_217, %get3A_218] {strides = array<i32>} : memref<200x512xi32, #tpu.memory_space<vmem>>, vector<16xi32>,
      %get3A_220 = arith.constant 29 : i32
      %get3A_221 = arith.index_cast %get3A_220 : i32 to index
      %get3A_222 = arith.index_cast %mul3A_15 : i32 to index
      %get3A_223 = tpu.vector_load %arg5[%get3A_221, %get3A_222] {strides = array<i32>} : memref<200x512xi32, #tpu.memory_space<vmem>>, vector<16xi32>,
      %get3A_224 = arith.constant 30 : i32
      %get3A_225 = arith.index_cast %get3A_224 : i32 to index
      %get3A_226 = arith.index_cast %mul3A_15 : i32 to index
      %get3A_227 = tpu.vector_load %arg5[%get3A_225, %get3A_226] {strides = array<i32>} : memref<200x512xi32, #tpu.memory_space<vmem>>, vector<16xi32>,
      %get3A_228 = arith.constant 31 : i32
      %get3A_229 = arith.index_cast %get3A_228 : i32 to index
      %get3A_230 = arith.index_cast %mul3A_15 : i32 to index
      %get3A_231 = tpu.vector_load %arg5[%get3A_229, %get3A_230] {strides = array<i32>} : memref<200x512xi32, #tpu.memory_space<vmem>>, vector<16xi32>,
      %pack3A_232 = tpu.pack_subelements %get3A_219, %get3A_223 {pack_format = #tpu.pack_format<interleaved>, positions = array<i32: 0, 1>} : vector<16xi32>, vector<16xi32> -> vector<32xi16>
      %pack3A_233 = tpu.pack_subelements %get3A_227, %get3A_231 {pack_format = #tpu.pack_format<interleaved>, positions = array<i32: 0, 1>} : vector<16xi32>, vector<16xi32> -> vector<32xi16>
      %pack3A_234 = tpu.pack_subelements %pack3A_232, %pack3A_233 {pack_format = #tpu.pack_format<interleaved>, positions = array<i32: 0, 1>} : vector<32xi16>, vector<32xi16> -> vector<64xi8>
      %bitcast3A_235 = vector.bitcast %pack3A_234 : vector<64xi8> to vector<16xi32>
      %and3A_236 = arith.andi %bitcast3A_235, %broadcast_in_dim3A_3 : vector<16xi32>
      %shift_right_arithmetic3A_237 = arith.constant 1 : i32
      %shift_right_arithmetic3A_238 = vector.broadcast %shift_right_arithmetic3A_237 : i32 to vector<16xi32>
      %shift_right_arithmetic3A_239 = arith.shrsi %bitcast3A_235, %shift_right_arithmetic3A_238 : vector<16xi32>
      %and3A_240 = arith.andi %shift_right_arithmetic3A_239, %broadcast_in_dim3A_3 : vector<16xi32>
      %add3A_241 = arith.addi %add3A_212, %and3A_236 : vector<16xi32>
      %add3A_242 = arith.addi %add3A_213, %and3A_240 : vector<16xi32>
      %and3A_243 = arith.andi %and3A_236, %and3A_240 : vector<16xi32>
      %add3A_244 = arith.addi %add3A_215, %and3A_243 : vector<16xi32>
      %get3A_245 = arith.constant 32 : i32
      %get3A_246 = arith.index_cast %get3A_245 : i32 to index
      %get3A_247 = arith.index_cast %mul3A_15 : i32 to index
      %get3A_248 = tpu.vector_load %arg5[%get3A_246, %get3A_247] {strides = array<i32>} : memref<200x512xi32, #tpu.memory_space<vmem>>, vector<16xi32>,
      %get3A_249 = arith.constant 33 : i32
      %get3A_250 = arith.index_cast %get3A_249 : i32 to index
      %get3A_251 = arith.index_cast %mul3A_15 : i32 to index
      %get3A_252 = tpu.vector_load %arg5[%get3A_250, %get3A_251] {strides = array<i32>} : memref<200x512xi32, #tpu.memory_space<vmem>>, vector<16xi32>,
      %get3A_253 = arith.constant 34 : i32
      %get3A_254 = arith.index_cast %get3A_253 : i32 to index
      %get3A_255 = arith.index_cast %mul3A_15 : i32 to index
      %get3A_256 = tpu.vector_load %arg5[%get3A_254, %get3A_255] {strides = array<i32>} : memref<200x512xi32, #tpu.memory_space<vmem>>, vector<16xi32>,
      %get3A_257 = arith.constant 35 : i32
      %get3A_258 = arith.index_cast %get3A_257 : i32 to index
      %get3A_259 = arith.index_cast %mul3A_15 : i32 to index
      %get3A_260 = tpu.vector_load %arg5[%get3A_258, %get3A_259] {strides = array<i32>} : memref<200x512xi32, #tpu.memory_space<vmem>>, vector<16xi32>,
      %pack3A_261 = tpu.pack_subelements %get3A_248, %get3A_252 {pack_format = #tpu.pack_format<interleaved>, positions = array<i32: 0, 1>} : vector<16xi32>, vector<16xi32> -> vector<32xi16>
      %pack3A_262 = tpu.pack_subelements %get3A_256, %get3A_260 {pack_format = #tpu.pack_format<interleaved>, positions = array<i32: 0, 1>} : vector<16xi32>, vector<16xi32> -> vector<32xi16>
      %pack3A_263 = tpu.pack_subelements %pack3A_261, %pack3A_262 {pack_format = #tpu.pack_format<interleaved>, positions = array<i32: 0, 1>} : vector<32xi16>, vector<32xi16> -> vector<64xi8>
      %bitcast3A_264 = vector.bitcast %pack3A_263 : vector<64xi8> to vector<16xi32>
      %and3A_265 = arith.andi %bitcast3A_264, %broadcast_in_dim3A_3 : vector<16xi32>
      %shift_right_arithmetic3A_266 = arith.constant 1 : i32
      %shift_right_arithmetic3A_267 = vector.broadcast %shift_right_arithmetic3A_266 : i32 to vector<16xi32>
      %shift_right_arithmetic3A_268 = arith.shrsi %bitcast3A_264, %shift_right_arithmetic3A_267 : vector<16xi32>
      %and3A_269 = arith.andi %shift_right_arithmetic3A_268, %broadcast_in_dim3A_3 : vector<16xi32>
      %add3A_270 = arith.addi %add3A_241, %and3A_265 : vector<16xi32>
      %add3A_271 = arith.addi %add3A_242, %and3A_269 : vector<16xi32>
      %and3A_272 = arith.andi %and3A_265, %and3A_269 : vector<16xi32>
      %add3A_273 = arith.addi %add3A_244, %and3A_272 : vector<16xi32>
      %get3A_274 = arith.constant 36 : i32
      %get3A_275 = arith.index_cast %get3A_274 : i32 to index
      %get3A_276 = arith.index_cast %mul3A_15 : i32 to index
      %get3A_277 = tpu.vector_load %arg5[%get3A_275, %get3A_276] {strides = array<i32>} : memref<200x512xi32, #tpu.memory_space<vmem>>, vector<16xi32>,
      %get3A_278 = arith.constant 37 : i32
      %get3A_279 = arith.index_cast %get3A_278 : i32 to index
      %get3A_280 = arith.index_cast %mul3A_15 : i32 to index
      %get3A_281 = tpu.vector_load %arg5[%get3A_279, %get3A_280] {strides = array<i32>} : memref<200x512xi32, #tpu.memory_space<vmem>>, vector<16xi32>,
      %get3A_282 = arith.constant 38 : i32
      %get3A_283 = arith.index_cast %get3A_282 : i32 to index
      %get3A_284 = arith.index_cast %mul3A_15 : i32 to index
      %get3A_285 = tpu.vector_load %arg5[%get3A_283, %get3A_284] {strides = array<i32>} : memref<200x512xi32, #tpu.memory_space<vmem>>, vector<16xi32>,
      %get3A_286 = arith.constant 39 : i32
      %get3A_287 = arith.index_cast %get3A_286 : i32 to index
      %get3A_288 = arith.index_cast %mul3A_15 : i32 to index
      %get3A_289 = tpu.vector_load %arg5[%get3A_287, %get3A_288] {strides = array<i32>} : memref<200x512xi32, #tpu.memory_space<vmem>>, vector<16xi32>,
      %pack3A_290 = tpu.pack_subelements %get3A_277, %get3A_281 {pack_format = #tpu.pack_format<interleaved>, positions = array<i32: 0, 1>} : vector<16xi32>, vector<16xi32> -> vector<32xi16>
      %pack3A_291 = tpu.pack_subelements %get3A_285, %get3A_289 {pack_format = #tpu.pack_format<interleaved>, positions = array<i32: 0, 1>} : vector<16xi32>, vector<16xi32> -> vector<32xi16>
      %pack3A_292 = tpu.pack_subelements %pack3A_290, %pack3A_291 {pack_format = #tpu.pack_format<interleaved>, positions = array<i32: 0, 1>} : vector<32xi16>, vector<32xi16> -> vector<64xi8>
      %bitcast3A_293 = vector.bitcast %pack3A_292 : vector<64xi8> to vector<16xi32>
      %and3A_294 = arith.andi %bitcast3A_293, %broadcast_in_dim3A_3 : vector<16xi32>
      %shift_right_arithmetic3A_295 = arith.constant 1 : i32
      %shift_right_arithmetic3A_296 = vector.broadcast %shift_right_arithmetic3A_295 : i32 to vector<16xi32>
      %shift_right_arithmetic3A_297 = arith.shrsi %bitcast3A_293, %shift_right_arithmetic3A_296 : vector<16xi32>
      %and3A_298 = arith.andi %shift_right_arithmetic3A_297, %broadcast_in_dim3A_3 : vector<16xi32>
      %add3A_299 = arith.addi %add3A_270, %and3A_294 : vector<16xi32>
      %add3A_300 = arith.addi %add3A_271, %and3A_298 : vector<16xi32>
      %and3A_301 = arith.andi %and3A_294, %and3A_298 : vector<16xi32>
      %add3A_302 = arith.addi %add3A_273, %and3A_301 : vector<16xi32>
      %get3A_303 = arith.constant 40 : i32
      %get3A_304 = arith.index_cast %get3A_303 : i32 to index
      %get3A_305 = arith.index_cast %mul3A_15 : i32 to index
      %get3A_306 = tpu.vector_load %arg5[%get3A_304, %get3A_305] {strides = array<i32>} : memref<200x512xi32, #tpu.memory_space<vmem>>, vector<16xi32>,
      %get3A_307 = arith.constant 41 : i32
      %get3A_308 = arith.index_cast %get3A_307 : i32 to index
      %get3A_309 = arith.index_cast %mul3A_15 : i32 to index
      %get3A_310 = tpu.vector_load %arg5[%get3A_308, %get3A_309] {strides = array<i32>} : memref<200x512xi32, #tpu.memory_space<vmem>>, vector<16xi32>,
      %get3A_311 = arith.constant 42 : i32
      %get3A_312 = arith.index_cast %get3A_311 : i32 to index
      %get3A_313 = arith.index_cast %mul3A_15 : i32 to index
      %get3A_314 = tpu.vector_load %arg5[%get3A_312, %get3A_313] {strides = array<i32>} : memref<200x512xi32, #tpu.memory_space<vmem>>, vector<16xi32>,
      %get3A_315 = arith.constant 43 : i32
      %get3A_316 = arith.index_cast %get3A_315 : i32 to index
      %get3A_317 = arith.index_cast %mul3A_15 : i32 to index
      %get3A_318 = tpu.vector_load %arg5[%get3A_316, %get3A_317] {strides = array<i32>} : memref<200x512xi32, #tpu.memory_space<vmem>>, vector<16xi32>,
      %pack3A_319 = tpu.pack_subelements %get3A_306, %get3A_310 {pack_format = #tpu.pack_format<interleaved>, positions = array<i32: 0, 1>} : vector<16xi32>, vector<16xi32> -> vector<32xi16>
      %pack3A_320 = tpu.pack_subelements %get3A_314, %get3A_318 {pack_format = #tpu.pack_format<interleaved>, positions = array<i32: 0, 1>} : vector<16xi32>, vector<16xi32> -> vector<32xi16>
      %pack3A_321 = tpu.pack_subelements %pack3A_319, %pack3A_320 {pack_format = #tpu.pack_format<interleaved>, positions = array<i32: 0, 1>} : vector<32xi16>, vector<32xi16> -> vector<64xi8>
      %bitcast3A_322 = vector.bitcast %pack3A_321 : vector<64xi8> to vector<16xi32>
      %and3A_323 = arith.andi %bitcast3A_322, %broadcast_in_dim3A_3 : vector<16xi32>
      %shift_right_arithmetic3A_324 = arith.constant 1 : i32
      %shift_right_arithmetic3A_325 = vector.broadcast %shift_right_arithmetic3A_324 : i32 to vector<16xi32>
      %shift_right_arithmetic3A_326 = arith.shrsi %bitcast3A_322, %shift_right_arithmetic3A_325 : vector<16xi32>
      %and3A_327 = arith.andi %shift_right_arithmetic3A_326, %broadcast_in_dim3A_3 : vector<16xi32>
      %add3A_328 = arith.addi %add3A_299, %and3A_323 : vector<16xi32>
      %add3A_329 = arith.addi %add3A_300, %and3A_327 : vector<16xi32>
      %and3A_330 = arith.andi %and3A_323, %and3A_327 : vector<16xi32>
      %add3A_331 = arith.addi %add3A_302, %and3A_330 : vector<16xi32>
      %get3A_332 = arith.constant 44 : i32
      %get3A_333 = arith.index_cast %get3A_332 : i32 to index
      %get3A_334 = arith.index_cast %mul3A_15 : i32 to index
      %get3A_335 = tpu.vector_load %arg5[%get3A_333, %get3A_334] {strides = array<i32>} : memref<200x512xi32, #tpu.memory_space<vmem>>, vector<16xi32>,
      %get3A_336 = arith.constant 45 : i32
      %get3A_337 = arith.index_cast %get3A_336 : i32 to index
      %get3A_338 = arith.index_cast %mul3A_15 : i32 to index
      %get3A_339 = tpu.vector_load %arg5[%get3A_337, %get3A_338] {strides = array<i32>} : memref<200x512xi32, #tpu.memory_space<vmem>>, vector<16xi32>,
      %get3A_340 = arith.constant 46 : i32
      %get3A_341 = arith.index_cast %get3A_340 : i32 to index
      %get3A_342 = arith.index_cast %mul3A_15 : i32 to index
      %get3A_343 = tpu.vector_load %arg5[%get3A_341, %get3A_342] {strides = array<i32>} : memref<200x512xi32, #tpu.memory_space<vmem>>, vector<16xi32>,
      %get3A_344 = arith.constant 47 : i32
      %get3A_345 = arith.index_cast %get3A_344 : i32 to index
      %get3A_346 = arith.index_cast %mul3A_15 : i32 to index
      %get3A_347 = tpu.vector_load %arg5[%get3A_345, %get3A_346] {strides = array<i32>} : memref<200x512xi32, #tpu.memory_space<vmem>>, vector<16xi32>,
      %pack3A_348 = tpu.pack_subelements %get3A_335, %get3A_339 {pack_format = #tpu.pack_format<interleaved>, positions = array<i32: 0, 1>} : vector<16xi32>, vector<16xi32> -> vector<32xi16>
      %pack3A_349 = tpu.pack_subelements %get3A_343, %get3A_347 {pack_format = #tpu.pack_format<interleaved>, positions = array<i32: 0, 1>} : vector<16xi32>, vector<16xi32> -> vector<32xi16>
      %pack3A_350 = tpu.pack_subelements %pack3A_348, %pack3A_349 {pack_format = #tpu.pack_format<interleaved>, positions = array<i32: 0, 1>} : vector<32xi16>, vector<32xi16> -> vector<64xi8>
      %bitcast3A_351 = vector.bitcast %pack3A_350 : vector<64xi8> to vector<16xi32>
      %and3A_352 = arith.andi %bitcast3A_351, %broadcast_in_dim3A_3 : vector<16xi32>
      %shift_right_arithmetic3A_353 = arith.constant 1 : i32
      %shift_right_arithmetic3A_354 = vector.broadcast %shift_right_arithmetic3A_353 : i32 to vector<16xi32>
      %shift_right_arithmetic3A_355 = arith.shrsi %bitcast3A_351, %shift_right_arithmetic3A_354 : vector<16xi32>
      %and3A_356 = arith.andi %shift_right_arithmetic3A_355, %broadcast_in_dim3A_3 : vector<16xi32>
      %add3A_357 = arith.addi %add3A_328, %and3A_352 : vector<16xi32>
      %add3A_358 = arith.addi %add3A_329, %and3A_356 : vector<16xi32>
      %and3A_359 = arith.andi %and3A_352, %and3A_356 : vector<16xi32>
      %add3A_360 = arith.addi %add3A_331, %and3A_359 : vector<16xi32>
      %get3A_361 = arith.constant 48 : i32
      %get3A_362 = arith.index_cast %get3A_361 : i32 to index
      %get3A_363 = arith.index_cast %mul3A_15 : i32 to index
      %get3A_364 = tpu.vector_load %arg5[%get3A_362, %get3A_363] {strides = array<i32>} : memref<200x512xi32, #tpu.memory_space<vmem>>, vector<16xi32>,
      %get3A_365 = arith.constant 49 : i32
      %get3A_366 = arith.index_cast %get3A_365 : i32 to index
      %get3A_367 = arith.index_cast %mul3A_15 : i32 to index
      %get3A_368 = tpu.vector_load %arg5[%get3A_366, %get3A_367] {strides = array<i32>} : memref<200x512xi32, #tpu.memory_space<vmem>>, vector<16xi32>,
      %get3A_369 = arith.constant 50 : i32
      %get3A_370 = arith.index_cast %get3A_369 : i32 to index
      %get3A_371 = arith.index_cast %mul3A_15 : i32 to index
      %get3A_372 = tpu.vector_load %arg5[%get3A_370, %get3A_371] {strides = array<i32>} : memref<200x512xi32, #tpu.memory_space<vmem>>, vector<16xi32>,
      %get3A_373 = arith.constant 51 : i32
      %get3A_374 = arith.index_cast %get3A_373 : i32 to index
      %get3A_375 = arith.index_cast %mul3A_15 : i32 to index
      %get3A_376 = tpu.vector_load %arg5[%get3A_374, %get3A_375] {strides = array<i32>} : memref<200x512xi32, #tpu.memory_space<vmem>>, vector<16xi32>,
      %pack3A_377 = tpu.pack_subelements %get3A_364, %get3A_368 {pack_format = #tpu.pack_format<interleaved>, positions = array<i32: 0, 1>} : vector<16xi32>, vector<16xi32> -> vector<32xi16>
      %pack3A_378 = tpu.pack_subelements %get3A_372, %get3A_376 {pack_format = #tpu.pack_format<interleaved>, positions = array<i32: 0, 1>} : vector<16xi32>, vector<16xi32> -> vector<32xi16>
      %pack3A_379 = tpu.pack_subelements %pack3A_377, %pack3A_378 {pack_format = #tpu.pack_format<interleaved>, positions = array<i32: 0, 1>} : vector<32xi16>, vector<32xi16> -> vector<64xi8>
      %bitcast3A_380 = vector.bitcast %pack3A_379 : vector<64xi8> to vector<16xi32>
      %and3A_381 = arith.andi %bitcast3A_380, %broadcast_in_dim3A_3 : vector<16xi32>
      %shift_right_arithmetic3A_382 = arith.constant 1 : i32
      %shift_right_arithmetic3A_383 = vector.broadcast %shift_right_arithmetic3A_382 : i32 to vector<16xi32>
      %shift_right_arithmetic3A_384 = arith.shrsi %bitcast3A_380, %shift_right_arithmetic3A_383 : vector<16xi32>
      %and3A_385 = arith.andi %shift_right_arithmetic3A_384, %broadcast_in_dim3A_3 : vector<16xi32>
      %add3A_386 = arith.addi %add3A_357, %and3A_381 : vector<16xi32>
      %add3A_387 = arith.addi %add3A_358, %and3A_385 : vector<16xi32>
      %and3A_388 = arith.andi %and3A_381, %and3A_385 : vector<16xi32>
      %add3A_389 = arith.addi %add3A_360, %and3A_388 : vector<16xi32>
      %get3A_390 = arith.constant 52 : i32
      %get3A_391 = arith.index_cast %get3A_390 : i32 to index
      %get3A_392 = arith.index_cast %mul3A_15 : i32 to index
      %get3A_393 = tpu.vector_load %arg5[%get3A_391, %get3A_392] {strides = array<i32>} : memref<200x512xi32, #tpu.memory_space<vmem>>, vector<16xi32>,
      %get3A_394 = arith.constant 53 : i32
      %get3A_395 = arith.index_cast %get3A_394 : i32 to index
      %get3A_396 = arith.index_cast %mul3A_15 : i32 to index
      %get3A_397 = tpu.vector_load %arg5[%get3A_395, %get3A_396] {strides = array<i32>} : memref<200x512xi32, #tpu.memory_space<vmem>>, vector<16xi32>,
      %get3A_398 = arith.constant 54 : i32
      %get3A_399 = arith.index_cast %get3A_398 : i32 to index
      %get3A_400 = arith.index_cast %mul3A_15 : i32 to index
      %get3A_401 = tpu.vector_load %arg5[%get3A_399, %get3A_400] {strides = array<i32>} : memref<200x512xi32, #tpu.memory_space<vmem>>, vector<16xi32>,
      %get3A_402 = arith.constant 55 : i32
      %get3A_403 = arith.index_cast %get3A_402 : i32 to index
      %get3A_404 = arith.index_cast %mul3A_15 : i32 to index
      %get3A_405 = tpu.vector_load %arg5[%get3A_403, %get3A_404] {strides = array<i32>} : memref<200x512xi32, #tpu.memory_space<vmem>>, vector<16xi32>,
      %pack3A_406 = tpu.pack_subelements %get3A_393, %get3A_397 {pack_format = #tpu.pack_format<interleaved>, positions = array<i32: 0, 1>} : vector<16xi32>, vector<16xi32> -> vector<32xi16>
      %pack3A_407 = tpu.pack_subelements %get3A_401, %get3A_405 {pack_format = #tpu.pack_format<interleaved>, positions = array<i32: 0, 1>} : vector<16xi32>, vector<16xi32> -> vector<32xi16>
      %pack3A_408 = tpu.pack_subelements %pack3A_406, %pack3A_407 {pack_format = #tpu.pack_format<interleaved>, positions = array<i32: 0, 1>} : vector<32xi16>, vector<32xi16> -> vector<64xi8>
      %bitcast3A_409 = vector.bitcast %pack3A_408 : vector<64xi8> to vector<16xi32>
      %and3A_410 = arith.andi %bitcast3A_409, %broadcast_in_dim3A_3 : vector<16xi32>
      %shift_right_arithmetic3A_411 = arith.constant 1 : i32
      %shift_right_arithmetic3A_412 = vector.broadcast %shift_right_arithmetic3A_411 : i32 to vector<16xi32>
      %shift_right_arithmetic3A_413 = arith.shrsi %bitcast3A_409, %shift_right_arithmetic3A_412 : vector<16xi32>
      %and3A_414 = arith.andi %shift_right_arithmetic3A_413, %broadcast_in_dim3A_3 : vector<16xi32>
      %add3A_415 = arith.addi %add3A_386, %and3A_410 : vector<16xi32>
      %add3A_416 = arith.addi %add3A_387, %and3A_414 : vector<16xi32>
      %and3A_417 = arith.andi %and3A_410, %and3A_414 : vector<16xi32>
      %add3A_418 = arith.addi %add3A_389, %and3A_417 : vector<16xi32>
      %get3A_419 = arith.constant 56 : i32
      %get3A_420 = arith.index_cast %get3A_419 : i32 to index
      %get3A_421 = arith.index_cast %mul3A_15 : i32 to index
      %get3A_422 = tpu.vector_load %arg5[%get3A_420, %get3A_421] {strides = array<i32>} : memref<200x512xi32, #tpu.memory_space<vmem>>, vector<16xi32>,
      %get3A_423 = arith.constant 57 : i32
      %get3A_424 = arith.index_cast %get3A_423 : i32 to index
      %get3A_425 = arith.index_cast %mul3A_15 : i32 to index
      %get3A_426 = tpu.vector_load %arg5[%get3A_424, %get3A_425] {strides = array<i32>} : memref<200x512xi32, #tpu.memory_space<vmem>>, vector<16xi32>,
      %get3A_427 = arith.constant 58 : i32
      %get3A_428 = arith.index_cast %get3A_427 : i32 to index
      %get3A_429 = arith.index_cast %mul3A_15 : i32 to index
      %get3A_430 = tpu.vector_load %arg5[%get3A_428, %get3A_429] {strides = array<i32>} : memref<200x512xi32, #tpu.memory_space<vmem>>, vector<16xi32>,
      %get3A_431 = arith.constant 59 : i32
      %get3A_432 = arith.index_cast %get3A_431 : i32 to index
      %get3A_433 = arith.index_cast %mul3A_15 : i32 to index
      %get3A_434 = tpu.vector_load %arg5[%get3A_432, %get3A_433] {strides = array<i32>} : memref<200x512xi32, #tpu.memory_space<vmem>>, vector<16xi32>,
      %pack3A_435 = tpu.pack_subelements %get3A_422, %get3A_426 {pack_format = #tpu.pack_format<interleaved>, positions = array<i32: 0, 1>} : vector<16xi32>, vector<16xi32> -> vector<32xi16>
      %pack3A_436 = tpu.pack_subelements %get3A_430, %get3A_434 {pack_format = #tpu.pack_format<interleaved>, positions = array<i32: 0, 1>} : vector<16xi32>, vector<16xi32> -> vector<32xi16>
      %pack3A_437 = tpu.pack_subelements %pack3A_435, %pack3A_436 {pack_format = #tpu.pack_format<interleaved>, positions = array<i32: 0, 1>} : vector<32xi16>, vector<32xi16> -> vector<64xi8>
      %bitcast3A_438 = vector.bitcast %pack3A_437 : vector<64xi8> to vector<16xi32>
      %and3A_439 = arith.andi %bitcast3A_438, %broadcast_in_dim3A_3 : vector<16xi32>
      %shift_right_arithmetic3A_440 = arith.constant 1 : i32
      %shift_right_arithmetic3A_441 = vector.broadcast %shift_right_arithmetic3A_440 : i32 to vector<16xi32>
      %shift_right_arithmetic3A_442 = arith.shrsi %bitcast3A_438, %shift_right_arithmetic3A_441 : vector<16xi32>
      %and3A_443 = arith.andi %shift_right_arithmetic3A_442, %broadcast_in_dim3A_3 : vector<16xi32>
      %add3A_444 = arith.addi %add3A_415, %and3A_439 : vector<16xi32>
      %add3A_445 = arith.addi %add3A_416, %and3A_443 : vector<16xi32>
      %and3A_446 = arith.andi %and3A_439, %and3A_443 : vector<16xi32>
      %add3A_447 = arith.addi %add3A_418, %and3A_446 : vector<16xi32>
      %get3A_448 = arith.constant 60 : i32
      %get3A_449 = arith.index_cast %get3A_448 : i32 to index
      %get3A_450 = arith.index_cast %mul3A_15 : i32 to index
      %get3A_451 = tpu.vector_load %arg5[%get3A_449, %get3A_450] {strides = array<i32>} : memref<200x512xi32, #tpu.memory_space<vmem>>, vector<16xi32>,
      %get3A_452 = arith.constant 61 : i32
      %get3A_453 = arith.index_cast %get3A_452 : i32 to index
      %get3A_454 = arith.index_cast %mul3A_15 : i32 to index
      %get3A_455 = tpu.vector_load %arg5[%get3A_453, %get3A_454] {strides = array<i32>} : memref<200x512xi32, #tpu.memory_space<vmem>>, vector<16xi32>,
      %get3A_456 = arith.constant 62 : i32
      %get3A_457 = arith.index_cast %get3A_456 : i32 to index
      %get3A_458 = arith.index_cast %mul3A_15 : i32 to index
      %get3A_459 = tpu.vector_load %arg5[%get3A_457, %get3A_458] {strides = array<i32>} : memref<200x512xi32, #tpu.memory_space<vmem>>, vector<16xi32>,
      %get3A_460 = arith.constant 63 : i32
      %get3A_461 = arith.index_cast %get3A_460 : i32 to index
      %get3A_462 = arith.index_cast %mul3A_15 : i32 to index
      %get3A_463 = tpu.vector_load %arg5[%get3A_461, %get3A_462] {strides = array<i32>} : memref<200x512xi32, #tpu.memory_space<vmem>>, vector<16xi32>,
      %pack3A_464 = tpu.pack_subelements %get3A_451, %get3A_455 {pack_format = #tpu.pack_format<interleaved>, positions = array<i32: 0, 1>} : vector<16xi32>, vector<16xi32> -> vector<32xi16>
      %pack3A_465 = tpu.pack_subelements %get3A_459, %get3A_463 {pack_format = #tpu.pack_format<interleaved>, positions = array<i32: 0, 1>} : vector<16xi32>, vector<16xi32> -> vector<32xi16>
      %pack3A_466 = tpu.pack_subelements %pack3A_464, %pack3A_465 {pack_format = #tpu.pack_format<interleaved>, positions = array<i32: 0, 1>} : vector<32xi16>, vector<32xi16> -> vector<64xi8>
      %bitcast3A_467 = vector.bitcast %pack3A_466 : vector<64xi8> to vector<16xi32>
      %and3A_468 = arith.andi %bitcast3A_467, %broadcast_in_dim3A_3 : vector<16xi32>
      %shift_right_arithmetic3A_469 = arith.constant 1 : i32
      %shift_right_arithmetic3A_470 = vector.broadcast %shift_right_arithmetic3A_469 : i32 to vector<16xi32>
      %shift_right_arithmetic3A_471 = arith.shrsi %bitcast3A_467, %shift_right_arithmetic3A_470 : vector<16xi32>
      %and3A_472 = arith.andi %shift_right_arithmetic3A_471, %broadcast_in_dim3A_3 : vector<16xi32>
      %add3A_473 = arith.addi %add3A_444, %and3A_468 : vector<16xi32>
      %add3A_474 = arith.addi %add3A_445, %and3A_472 : vector<16xi32>
      %and3A_475 = arith.andi %and3A_468, %and3A_472 : vector<16xi32>
      %add3A_476 = arith.addi %add3A_447, %and3A_475 : vector<16xi32>
      %get3A_477 = arith.constant 64 : i32
      %get3A_478 = arith.index_cast %get3A_477 : i32 to index
      %get3A_479 = arith.index_cast %mul3A_15 : i32 to index
      %get3A_480 = tpu.vector_load %arg5[%get3A_478, %get3A_479] {strides = array<i32>} : memref<200x512xi32, #tpu.memory_space<vmem>>, vector<16xi32>,
      %get3A_481 = arith.constant 65 : i32
      %get3A_482 = arith.index_cast %get3A_481 : i32 to index
      %get3A_483 = arith.index_cast %mul3A_15 : i32 to index
      %get3A_484 = tpu.vector_load %arg5[%get3A_482, %get3A_483] {strides = array<i32>} : memref<200x512xi32, #tpu.memory_space<vmem>>, vector<16xi32>,
      %get3A_485 = arith.constant 66 : i32
      %get3A_486 = arith.index_cast %get3A_485 : i32 to index
      %get3A_487 = arith.index_cast %mul3A_15 : i32 to index
      %get3A_488 = tpu.vector_load %arg5[%get3A_486, %get3A_487] {strides = array<i32>} : memref<200x512xi32, #tpu.memory_space<vmem>>, vector<16xi32>,
      %get3A_489 = arith.constant 67 : i32
      %get3A_490 = arith.index_cast %get3A_489 : i32 to index
      %get3A_491 = arith.index_cast %mul3A_15 : i32 to index
      %get3A_492 = tpu.vector_load %arg5[%get3A_490, %get3A_491] {strides = array<i32>} : memref<200x512xi32, #tpu.memory_space<vmem>>, vector<16xi32>,
      %pack3A_493 = tpu.pack_subelements %get3A_480, %get3A_484 {pack_format = #tpu.pack_format<interleaved>, positions = array<i32: 0, 1>} : vector<16xi32>, vector<16xi32> -> vector<32xi16>
      %pack3A_494 = tpu.pack_subelements %get3A_488, %get3A_492 {pack_format = #tpu.pack_format<interleaved>, positions = array<i32: 0, 1>} : vector<16xi32>, vector<16xi32> -> vector<32xi16>
      %pack3A_495 = tpu.pack_subelements %pack3A_493, %pack3A_494 {pack_format = #tpu.pack_format<interleaved>, positions = array<i32: 0, 1>} : vector<32xi16>, vector<32xi16> -> vector<64xi8>
      %bitcast3A_496 = vector.bitcast %pack3A_495 : vector<64xi8> to vector<16xi32>
      %and3A_497 = arith.andi %bitcast3A_496, %broadcast_in_dim3A_3 : vector<16xi32>
      %shift_right_arithmetic3A_498 = arith.constant 1 : i32
      %shift_right_arithmetic3A_499 = vector.broadcast %shift_right_arithmetic3A_498 : i32 to vector<16xi32>
      %shift_right_arithmetic3A_500 = arith.shrsi %bitcast3A_496, %shift_right_arithmetic3A_499 : vector<16xi32>
      %and3A_501 = arith.andi %shift_right_arithmetic3A_500, %broadcast_in_dim3A_3 : vector<16xi32>
      %add3A_502 = arith.addi %add3A_473, %and3A_497 : vector<16xi32>
      %add3A_503 = arith.addi %add3A_474, %and3A_501 : vector<16xi32>
      %and3A_504 = arith.andi %and3A_497, %and3A_501 : vector<16xi32>
      %add3A_505 = arith.addi %add3A_476, %and3A_504 : vector<16xi32>
      %get3A_506 = arith.constant 68 : i32
      %get3A_507 = arith.index_cast %get3A_506 : i32 to index
      %get3A_508 = arith.index_cast %mul3A_15 : i32 to index
      %get3A_509 = tpu.vector_load %arg5[%get3A_507, %get3A_508] {strides = array<i32>} : memref<200x512xi32, #tpu.memory_space<vmem>>, vector<16xi32>,
      %get3A_510 = arith.constant 69 : i32
      %get3A_511 = arith.index_cast %get3A_510 : i32 to index
      %get3A_512 = arith.index_cast %mul3A_15 : i32 to index
      %get3A_513 = tpu.vector_load %arg5[%get3A_511, %get3A_512] {strides = array<i32>} : memref<200x512xi32, #tpu.memory_space<vmem>>, vector<16xi32>,
      %get3A_514 = arith.constant 70 : i32
      %get3A_515 = arith.index_cast %get3A_514 : i32 to index
      %get3A_516 = arith.index_cast %mul3A_15 : i32 to index
      %get3A_517 = tpu.vector_load %arg5[%get3A_515, %get3A_516] {strides = array<i32>} : memref<200x512xi32, #tpu.memory_space<vmem>>, vector<16xi32>,
      %get3A_518 = arith.constant 71 : i32
      %get3A_519 = arith.index_cast %get3A_518 : i32 to index
      %get3A_520 = arith.index_cast %mul3A_15 : i32 to index
      %get3A_521 = tpu.vector_load %arg5[%get3A_519, %get3A_520] {strides = array<i32>} : memref<200x512xi32, #tpu.memory_space<vmem>>, vector<16xi32>,
      %pack3A_522 = tpu.pack_subelements %get3A_509, %get3A_513 {pack_format = #tpu.pack_format<interleaved>, positions = array<i32: 0, 1>} : vector<16xi32>, vector<16xi32> -> vector<32xi16>
      %pack3A_523 = tpu.pack_subelements %get3A_517, %get3A_521 {pack_format = #tpu.pack_format<interleaved>, positions = array<i32: 0, 1>} : vector<16xi32>, vector<16xi32> -> vector<32xi16>
      %pack3A_524 = tpu.pack_subelements %pack3A_522, %pack3A_523 {pack_format = #tpu.pack_format<interleaved>, positions = array<i32: 0, 1>} : vector<32xi16>, vector<32xi16> -> vector<64xi8>
      %bitcast3A_525 = vector.bitcast %pack3A_524 : vector<64xi8> to vector<16xi32>
      %and3A_526 = arith.andi %bitcast3A_525, %broadcast_in_dim3A_3 : vector<16xi32>
      %shift_right_arithmetic3A_527 = arith.constant 1 : i32
      %shift_right_arithmetic3A_528 = vector.broadcast %shift_right_arithmetic3A_527 : i32 to vector<16xi32>
      %shift_right_arithmetic3A_529 = arith.shrsi %bitcast3A_525, %shift_right_arithmetic3A_528 : vector<16xi32>
      %and3A_530 = arith.andi %shift_right_arithmetic3A_529, %broadcast_in_dim3A_3 : vector<16xi32>
      %add3A_531 = arith.addi %add3A_502, %and3A_526 : vector<16xi32>
      %add3A_532 = arith.addi %add3A_503, %and3A_530 : vector<16xi32>
      %and3A_533 = arith.andi %and3A_526, %and3A_530 : vector<16xi32>
      %add3A_534 = arith.addi %add3A_505, %and3A_533 : vector<16xi32>
      %get3A_535 = arith.constant 72 : i32
      %get3A_536 = arith.index_cast %get3A_535 : i32 to index
      %get3A_537 = arith.index_cast %mul3A_15 : i32 to index
      %get3A_538 = tpu.vector_load %arg5[%get3A_536, %get3A_537] {strides = array<i32>} : memref<200x512xi32, #tpu.memory_space<vmem>>, vector<16xi32>,
      %get3A_539 = arith.constant 73 : i32
      %get3A_540 = arith.index_cast %get3A_539 : i32 to index
      %get3A_541 = arith.index_cast %mul3A_15 : i32 to index
      %get3A_542 = tpu.vector_load %arg5[%get3A_540, %get3A_541] {strides = array<i32>} : memref<200x512xi32, #tpu.memory_space<vmem>>, vector<16xi32>,
      %get3A_543 = arith.constant 74 : i32
      %get3A_544 = arith.index_cast %get3A_543 : i32 to index
      %get3A_545 = arith.index_cast %mul3A_15 : i32 to index
      %get3A_546 = tpu.vector_load %arg5[%get3A_544, %get3A_545] {strides = array<i32>} : memref<200x512xi32, #tpu.memory_space<vmem>>, vector<16xi32>,
      %get3A_547 = arith.constant 75 : i32
      %get3A_548 = arith.index_cast %get3A_547 : i32 to index
      %get3A_549 = arith.index_cast %mul3A_15 : i32 to index
      %get3A_550 = tpu.vector_load %arg5[%get3A_548, %get3A_549] {strides = array<i32>} : memref<200x512xi32, #tpu.memory_space<vmem>>, vector<16xi32>,
      %pack3A_551 = tpu.pack_subelements %get3A_538, %get3A_542 {pack_format = #tpu.pack_format<interleaved>, positions = array<i32: 0, 1>} : vector<16xi32>, vector<16xi32> -> vector<32xi16>
      %pack3A_552 = tpu.pack_subelements %get3A_546, %get3A_550 {pack_format = #tpu.pack_format<interleaved>, positions = array<i32: 0, 1>} : vector<16xi32>, vector<16xi32> -> vector<32xi16>
      %pack3A_553 = tpu.pack_subelements %pack3A_551, %pack3A_552 {pack_format = #tpu.pack_format<interleaved>, positions = array<i32: 0, 1>} : vector<32xi16>, vector<32xi16> -> vector<64xi8>
      %bitcast3A_554 = vector.bitcast %pack3A_553 : vector<64xi8> to vector<16xi32>
      %and3A_555 = arith.andi %bitcast3A_554, %broadcast_in_dim3A_3 : vector<16xi32>
      %shift_right_arithmetic3A_556 = arith.constant 1 : i32
      %shift_right_arithmetic3A_557 = vector.broadcast %shift_right_arithmetic3A_556 : i32 to vector<16xi32>
      %shift_right_arithmetic3A_558 = arith.shrsi %bitcast3A_554, %shift_right_arithmetic3A_557 : vector<16xi32>
      %and3A_559 = arith.andi %shift_right_arithmetic3A_558, %broadcast_in_dim3A_3 : vector<16xi32>
      %add3A_560 = arith.addi %add3A_531, %and3A_555 : vector<16xi32>
      %add3A_561 = arith.addi %add3A_532, %and3A_559 : vector<16xi32>
      %and3A_562 = arith.andi %and3A_555, %and3A_559 : vector<16xi32>
      %add3A_563 = arith.addi %add3A_534, %and3A_562 : vector<16xi32>
      %get3A_564 = arith.constant 76 : i32
      %get3A_565 = arith.index_cast %get3A_564 : i32 to index
      %get3A_566 = arith.index_cast %mul3A_15 : i32 to index
      %get3A_567 = tpu.vector_load %arg5[%get3A_565, %get3A_566] {strides = array<i32>} : memref<200x512xi32, #tpu.memory_space<vmem>>, vector<16xi32>,
      %get3A_568 = arith.constant 77 : i32
      %get3A_569 = arith.index_cast %get3A_568 : i32 to index
      %get3A_570 = arith.index_cast %mul3A_15 : i32 to index
      %get3A_571 = tpu.vector_load %arg5[%get3A_569, %get3A_570] {strides = array<i32>} : memref<200x512xi32, #tpu.memory_space<vmem>>, vector<16xi32>,
      %get3A_572 = arith.constant 78 : i32
      %get3A_573 = arith.index_cast %get3A_572 : i32 to index
      %get3A_574 = arith.index_cast %mul3A_15 : i32 to index
      %get3A_575 = tpu.vector_load %arg5[%get3A_573, %get3A_574] {strides = array<i32>} : memref<200x512xi32, #tpu.memory_space<vmem>>, vector<16xi32>,
      %get3A_576 = arith.constant 79 : i32
      %get3A_577 = arith.index_cast %get3A_576 : i32 to index
      %get3A_578 = arith.index_cast %mul3A_15 : i32 to index
      %get3A_579 = tpu.vector_load %arg5[%get3A_577, %get3A_578] {strides = array<i32>} : memref<200x512xi32, #tpu.memory_space<vmem>>, vector<16xi32>,
      %pack3A_580 = tpu.pack_subelements %get3A_567, %get3A_571 {pack_format = #tpu.pack_format<interleaved>, positions = array<i32: 0, 1>} : vector<16xi32>, vector<16xi32> -> vector<32xi16>
      %pack3A_581 = tpu.pack_subelements %get3A_575, %get3A_579 {pack_format = #tpu.pack_format<interleaved>, positions = array<i32: 0, 1>} : vector<16xi32>, vector<16xi32> -> vector<32xi16>
      %pack3A_582 = tpu.pack_subelements %pack3A_580, %pack3A_581 {pack_format = #tpu.pack_format<interleaved>, positions = array<i32: 0, 1>} : vector<32xi16>, vector<32xi16> -> vector<64xi8>
      %bitcast3A_583 = vector.bitcast %pack3A_582 : vector<64xi8> to vector<16xi32>
      %and3A_584 = arith.andi %bitcast3A_583, %broadcast_in_dim3A_3 : vector<16xi32>
      %shift_right_arithmetic3A_585 = arith.constant 1 : i32
      %shift_right_arithmetic3A_586 = vector.broadcast %shift_right_arithmetic3A_585 : i32 to vector<16xi32>
      %shift_right_arithmetic3A_587 = arith.shrsi %bitcast3A_583, %shift_right_arithmetic3A_586 : vector<16xi32>
      %and3A_588 = arith.andi %shift_right_arithmetic3A_587, %broadcast_in_dim3A_3 : vector<16xi32>
      %add3A_589 = arith.addi %add3A_560, %and3A_584 : vector<16xi32>
      %add3A_590 = arith.addi %add3A_561, %and3A_588 : vector<16xi32>
      %and3A_591 = arith.andi %and3A_584, %and3A_588 : vector<16xi32>
      %add3A_592 = arith.addi %add3A_563, %and3A_591 : vector<16xi32>
      %get3A_593 = arith.constant 80 : i32
      %get3A_594 = arith.index_cast %get3A_593 : i32 to index
      %get3A_595 = arith.index_cast %mul3A_15 : i32 to index
      %get3A_596 = tpu.vector_load %arg5[%get3A_594, %get3A_595] {strides = array<i32>} : memref<200x512xi32, #tpu.memory_space<vmem>>, vector<16xi32>,
      %get3A_597 = arith.constant 81 : i32
      %get3A_598 = arith.index_cast %get3A_597 : i32 to index
      %get3A_599 = arith.index_cast %mul3A_15 : i32 to index
      %get3A_600 = tpu.vector_load %arg5[%get3A_598, %get3A_599] {strides = array<i32>} : memref<200x512xi32, #tpu.memory_space<vmem>>, vector<16xi32>,
      %get3A_601 = arith.constant 82 : i32
      %get3A_602 = arith.index_cast %get3A_601 : i32 to index
      %get3A_603 = arith.index_cast %mul3A_15 : i32 to index
      %get3A_604 = tpu.vector_load %arg5[%get3A_602, %get3A_603] {strides = array<i32>} : memref<200x512xi32, #tpu.memory_space<vmem>>, vector<16xi32>,
      %get3A_605 = arith.constant 83 : i32
      %get3A_606 = arith.index_cast %get3A_605 : i32 to index
      %get3A_607 = arith.index_cast %mul3A_15 : i32 to index
      %get3A_608 = tpu.vector_load %arg5[%get3A_606, %get3A_607] {strides = array<i32>} : memref<200x512xi32, #tpu.memory_space<vmem>>, vector<16xi32>,
      %pack3A_609 = tpu.pack_subelements %get3A_596, %get3A_600 {pack_format = #tpu.pack_format<interleaved>, positions = array<i32: 0, 1>} : vector<16xi32>, vector<16xi32> -> vector<32xi16>
      %pack3A_610 = tpu.pack_subelements %get3A_604, %get3A_608 {pack_format = #tpu.pack_format<interleaved>, positions = array<i32: 0, 1>} : vector<16xi32>, vector<16xi32> -> vector<32xi16>
      %pack3A_611 = tpu.pack_subelements %pack3A_609, %pack3A_610 {pack_format = #tpu.pack_format<interleaved>, positions = array<i32: 0, 1>} : vector<32xi16>, vector<32xi16> -> vector<64xi8>
      %bitcast3A_612 = vector.bitcast %pack3A_611 : vector<64xi8> to vector<16xi32>
      %and3A_613 = arith.andi %bitcast3A_612, %broadcast_in_dim3A_3 : vector<16xi32>
      %shift_right_arithmetic3A_614 = arith.constant 1 : i32
      %shift_right_arithmetic3A_615 = vector.broadcast %shift_right_arithmetic3A_614 : i32 to vector<16xi32>
      %shift_right_arithmetic3A_616 = arith.shrsi %bitcast3A_612, %shift_right_arithmetic3A_615 : vector<16xi32>
      %and3A_617 = arith.andi %shift_right_arithmetic3A_616, %broadcast_in_dim3A_3 : vector<16xi32>
      %add3A_618 = arith.addi %add3A_589, %and3A_613 : vector<16xi32>
      %add3A_619 = arith.addi %add3A_590, %and3A_617 : vector<16xi32>
      %and3A_620 = arith.andi %and3A_613, %and3A_617 : vector<16xi32>
      %add3A_621 = arith.addi %add3A_592, %and3A_620 : vector<16xi32>
      %get3A_622 = arith.constant 84 : i32
      %get3A_623 = arith.index_cast %get3A_622 : i32 to index
      %get3A_624 = arith.index_cast %mul3A_15 : i32 to index
      %get3A_625 = tpu.vector_load %arg5[%get3A_623, %get3A_624] {strides = array<i32>} : memref<200x512xi32, #tpu.memory_space<vmem>>, vector<16xi32>,
      %get3A_626 = arith.constant 85 : i32
      %get3A_627 = arith.index_cast %get3A_626 : i32 to index
      %get3A_628 = arith.index_cast %mul3A_15 : i32 to index
      %get3A_629 = tpu.vector_load %arg5[%get3A_627, %get3A_628] {strides = array<i32>} : memref<200x512xi32, #tpu.memory_space<vmem>>, vector<16xi32>,
      %get3A_630 = arith.constant 86 : i32
      %get3A_631 = arith.index_cast %get3A_630 : i32 to index
      %get3A_632 = arith.index_cast %mul3A_15 : i32 to index
      %get3A_633 = tpu.vector_load %arg5[%get3A_631, %get3A_632] {strides = array<i32>} : memref<200x512xi32, #tpu.memory_space<vmem>>, vector<16xi32>,
      %get3A_634 = arith.constant 87 : i32
      %get3A_635 = arith.index_cast %get3A_634 : i32 to index
      %get3A_636 = arith.index_cast %mul3A_15 : i32 to index
      %get3A_637 = tpu.vector_load %arg5[%get3A_635, %get3A_636] {strides = array<i32>} : memref<200x512xi32, #tpu.memory_space<vmem>>, vector<16xi32>,
      %pack3A_638 = tpu.pack_subelements %get3A_625, %get3A_629 {pack_format = #tpu.pack_format<interleaved>, positions = array<i32: 0, 1>} : vector<16xi32>, vector<16xi32> -> vector<32xi16>
      %pack3A_639 = tpu.pack_subelements %get3A_633, %get3A_637 {pack_format = #tpu.pack_format<interleaved>, positions = array<i32: 0, 1>} : vector<16xi32>, vector<16xi32> -> vector<32xi16>
      %pack3A_640 = tpu.pack_subelements %pack3A_638, %pack3A_639 {pack_format = #tpu.pack_format<interleaved>, positions = array<i32: 0, 1>} : vector<32xi16>, vector<32xi16> -> vector<64xi8>
      %bitcast3A_641 = vector.bitcast %pack3A_640 : vector<64xi8> to vector<16xi32>
      %and3A_642 = arith.andi %bitcast3A_641, %broadcast_in_dim3A_3 : vector<16xi32>
      %shift_right_arithmetic3A_643 = arith.constant 1 : i32
      %shift_right_arithmetic3A_644 = vector.broadcast %shift_right_arithmetic3A_643 : i32 to vector<16xi32>
      %shift_right_arithmetic3A_645 = arith.shrsi %bitcast3A_641, %shift_right_arithmetic3A_644 : vector<16xi32>
      %and3A_646 = arith.andi %shift_right_arithmetic3A_645, %broadcast_in_dim3A_3 : vector<16xi32>
      %add3A_647 = arith.addi %add3A_618, %and3A_642 : vector<16xi32>
      %add3A_648 = arith.addi %add3A_619, %and3A_646 : vector<16xi32>
      %and3A_649 = arith.andi %and3A_642, %and3A_646 : vector<16xi32>
      %add3A_650 = arith.addi %add3A_621, %and3A_649 : vector<16xi32>
      %get3A_651 = arith.constant 88 : i32
      %get3A_652 = arith.index_cast %get3A_651 : i32 to index
      %get3A_653 = arith.index_cast %mul3A_15 : i32 to index
      %get3A_654 = tpu.vector_load %arg5[%get3A_652, %get3A_653] {strides = array<i32>} : memref<200x512xi32, #tpu.memory_space<vmem>>, vector<16xi32>,
      %get3A_655 = arith.constant 89 : i32
      %get3A_656 = arith.index_cast %get3A_655 : i32 to index
      %get3A_657 = arith.index_cast %mul3A_15 : i32 to index
      %get3A_658 = tpu.vector_load %arg5[%get3A_656, %get3A_657] {strides = array<i32>} : memref<200x512xi32, #tpu.memory_space<vmem>>, vector<16xi32>,
      %get3A_659 = arith.constant 90 : i32
      %get3A_660 = arith.index_cast %get3A_659 : i32 to index
      %get3A_661 = arith.index_cast %mul3A_15 : i32 to index
      %get3A_662 = tpu.vector_load %arg5[%get3A_660, %get3A_661] {strides = array<i32>} : memref<200x512xi32, #tpu.memory_space<vmem>>, vector<16xi32>,
      %get3A_663 = arith.constant 91 : i32
      %get3A_664 = arith.index_cast %get3A_663 : i32 to index
      %get3A_665 = arith.index_cast %mul3A_15 : i32 to index
      %get3A_666 = tpu.vector_load %arg5[%get3A_664, %get3A_665] {strides = array<i32>} : memref<200x512xi32, #tpu.memory_space<vmem>>, vector<16xi32>,
      %pack3A_667 = tpu.pack_subelements %get3A_654, %get3A_658 {pack_format = #tpu.pack_format<interleaved>, positions = array<i32: 0, 1>} : vector<16xi32>, vector<16xi32> -> vector<32xi16>
      %pack3A_668 = tpu.pack_subelements %get3A_662, %get3A_666 {pack_format = #tpu.pack_format<interleaved>, positions = array<i32: 0, 1>} : vector<16xi32>, vector<16xi32> -> vector<32xi16>
      %pack3A_669 = tpu.pack_subelements %pack3A_667, %pack3A_668 {pack_format = #tpu.pack_format<interleaved>, positions = array<i32: 0, 1>} : vector<32xi16>, vector<32xi16> -> vector<64xi8>
      %bitcast3A_670 = vector.bitcast %pack3A_669 : vector<64xi8> to vector<16xi32>
      %and3A_671 = arith.andi %bitcast3A_670, %broadcast_in_dim3A_3 : vector<16xi32>
      %shift_right_arithmetic3A_672 = arith.constant 1 : i32
      %shift_right_arithmetic3A_673 = vector.broadcast %shift_right_arithmetic3A_672 : i32 to vector<16xi32>
      %shift_right_arithmetic3A_674 = arith.shrsi %bitcast3A_670, %shift_right_arithmetic3A_673 : vector<16xi32>
      %and3A_675 = arith.andi %shift_right_arithmetic3A_674, %broadcast_in_dim3A_3 : vector<16xi32>
      %add3A_676 = arith.addi %add3A_647, %and3A_671 : vector<16xi32>
      %add3A_677 = arith.addi %add3A_648, %and3A_675 : vector<16xi32>
      %and3A_678 = arith.andi %and3A_671, %and3A_675 : vector<16xi32>
      %add3A_679 = arith.addi %add3A_650, %and3A_678 : vector<16xi32>
      %get3A_680 = arith.constant 92 : i32
      %get3A_681 = arith.index_cast %get3A_680 : i32 to index
      %get3A_682 = arith.index_cast %mul3A_15 : i32 to index
      %get3A_683 = tpu.vector_load %arg5[%get3A_681, %get3A_682] {strides = array<i32>} : memref<200x512xi32, #tpu.memory_space<vmem>>, vector<16xi32>,
      %get3A_684 = arith.constant 93 : i32
      %get3A_685 = arith.index_cast %get3A_684 : i32 to index
      %get3A_686 = arith.index_cast %mul3A_15 : i32 to index
      %get3A_687 = tpu.vector_load %arg5[%get3A_685, %get3A_686] {strides = array<i32>} : memref<200x512xi32, #tpu.memory_space<vmem>>, vector<16xi32>,
      %get3A_688 = arith.constant 94 : i32
      %get3A_689 = arith.index_cast %get3A_688 : i32 to index
      %get3A_690 = arith.index_cast %mul3A_15 : i32 to index
      %get3A_691 = tpu.vector_load %arg5[%get3A_689, %get3A_690] {strides = array<i32>} : memref<200x512xi32, #tpu.memory_space<vmem>>, vector<16xi32>,
      %get3A_692 = arith.constant 95 : i32
      %get3A_693 = arith.index_cast %get3A_692 : i32 to index
      %get3A_694 = arith.index_cast %mul3A_15 : i32 to index
      %get3A_695 = tpu.vector_load %arg5[%get3A_693, %get3A_694] {strides = array<i32>} : memref<200x512xi32, #tpu.memory_space<vmem>>, vector<16xi32>,
      %pack3A_696 = tpu.pack_subelements %get3A_683, %get3A_687 {pack_format = #tpu.pack_format<interleaved>, positions = array<i32: 0, 1>} : vector<16xi32>, vector<16xi32> -> vector<32xi16>
      %pack3A_697 = tpu.pack_subelements %get3A_691, %get3A_695 {pack_format = #tpu.pack_format<interleaved>, positions = array<i32: 0, 1>} : vector<16xi32>, vector<16xi32> -> vector<32xi16>
      %pack3A_698 = tpu.pack_subelements %pack3A_696, %pack3A_697 {pack_format = #tpu.pack_format<interleaved>, positions = array<i32: 0, 1>} : vector<32xi16>, vector<32xi16> -> vector<64xi8>
      %bitcast3A_699 = vector.bitcast %pack3A_698 : vector<64xi8> to vector<16xi32>
      %and3A_700 = arith.andi %bitcast3A_699, %broadcast_in_dim3A_3 : vector<16xi32>
      %shift_right_arithmetic3A_701 = arith.constant 1 : i32
      %shift_right_arithmetic3A_702 = vector.broadcast %shift_right_arithmetic3A_701 : i32 to vector<16xi32>
      %shift_right_arithmetic3A_703 = arith.shrsi %bitcast3A_699, %shift_right_arithmetic3A_702 : vector<16xi32>
      %and3A_704 = arith.andi %shift_right_arithmetic3A_703, %broadcast_in_dim3A_3 : vector<16xi32>
      %add3A_705 = arith.addi %add3A_676, %and3A_700 : vector<16xi32>
      %add3A_706 = arith.addi %add3A_677, %and3A_704 : vector<16xi32>
      %and3A_707 = arith.andi %and3A_700, %and3A_704 : vector<16xi32>
      %add3A_708 = arith.addi %add3A_679, %and3A_707 : vector<16xi32>
      %get3A_709 = arith.constant 96 : i32
      %get3A_710 = arith.index_cast %get3A_709 : i32 to index
      %get3A_711 = arith.index_cast %mul3A_15 : i32 to index
      %get3A_712 = tpu.vector_load %arg5[%get3A_710, %get3A_711] {strides = array<i32>} : memref<200x512xi32, #tpu.memory_space<vmem>>, vector<16xi32>,
      %get3A_713 = arith.constant 97 : i32
      %get3A_714 = arith.index_cast %get3A_713 : i32 to index
      %get3A_715 = arith.index_cast %mul3A_15 : i32 to index
      %get3A_716 = tpu.vector_load %arg5[%get3A_714, %get3A_715] {strides = array<i32>} : memref<200x512xi32, #tpu.memory_space<vmem>>, vector<16xi32>,
      %get3A_717 = arith.constant 98 : i32
      %get3A_718 = arith.index_cast %get3A_717 : i32 to index
      %get3A_719 = arith.index_cast %mul3A_15 : i32 to index
      %get3A_720 = tpu.vector_load %arg5[%get3A_718, %get3A_719] {strides = array<i32>} : memref<200x512xi32, #tpu.memory_space<vmem>>, vector<16xi32>,
      %get3A_721 = arith.constant 99 : i32
      %get3A_722 = arith.index_cast %get3A_721 : i32 to index
      %get3A_723 = arith.index_cast %mul3A_15 : i32 to index
      %get3A_724 = tpu.vector_load %arg5[%get3A_722, %get3A_723] {strides = array<i32>} : memref<200x512xi32, #tpu.memory_space<vmem>>, vector<16xi32>,
      %pack3A_725 = tpu.pack_subelements %get3A_712, %get3A_716 {pack_format = #tpu.pack_format<interleaved>, positions = array<i32: 0, 1>} : vector<16xi32>, vector<16xi32> -> vector<32xi16>
      %pack3A_726 = tpu.pack_subelements %get3A_720, %get3A_724 {pack_format = #tpu.pack_format<interleaved>, positions = array<i32: 0, 1>} : vector<16xi32>, vector<16xi32> -> vector<32xi16>
      %pack3A_727 = tpu.pack_subelements %pack3A_725, %pack3A_726 {pack_format = #tpu.pack_format<interleaved>, positions = array<i32: 0, 1>} : vector<32xi16>, vector<32xi16> -> vector<64xi8>
      %bitcast3A_728 = vector.bitcast %pack3A_727 : vector<64xi8> to vector<16xi32>
      %and3A_729 = arith.andi %bitcast3A_728, %broadcast_in_dim3A_3 : vector<16xi32>
      %shift_right_arithmetic3A_730 = arith.constant 1 : i32
      %shift_right_arithmetic3A_731 = vector.broadcast %shift_right_arithmetic3A_730 : i32 to vector<16xi32>
      %shift_right_arithmetic3A_732 = arith.shrsi %bitcast3A_728, %shift_right_arithmetic3A_731 : vector<16xi32>
      %and3A_733 = arith.andi %shift_right_arithmetic3A_732, %broadcast_in_dim3A_3 : vector<16xi32>
      %add3A_734 = arith.addi %add3A_705, %and3A_729 : vector<16xi32>
      %add3A_735 = arith.addi %add3A_706, %and3A_733 : vector<16xi32>
      %and3A_736 = arith.andi %and3A_729, %and3A_733 : vector<16xi32>
      %add3A_737 = arith.addi %add3A_708, %and3A_736 : vector<16xi32>
      %get3A_738 = arith.constant 100 : i32
      %get3A_739 = arith.index_cast %get3A_738 : i32 to index
      %get3A_740 = arith.index_cast %mul3A_15 : i32 to index
      %get3A_741 = tpu.vector_load %arg5[%get3A_739, %get3A_740] {strides = array<i32>} : memref<200x512xi32, #tpu.memory_space<vmem>>, vector<16xi32>,
      %get3A_742 = arith.constant 101 : i32
      %get3A_743 = arith.index_cast %get3A_742 : i32 to index
      %get3A_744 = arith.index_cast %mul3A_15 : i32 to index
      %get3A_745 = tpu.vector_load %arg5[%get3A_743, %get3A_744] {strides = array<i32>} : memref<200x512xi32, #tpu.memory_space<vmem>>, vector<16xi32>,
      %get3A_746 = arith.constant 102 : i32
      %get3A_747 = arith.index_cast %get3A_746 : i32 to index
      %get3A_748 = arith.index_cast %mul3A_15 : i32 to index
      %get3A_749 = tpu.vector_load %arg5[%get3A_747, %get3A_748] {strides = array<i32>} : memref<200x512xi32, #tpu.memory_space<vmem>>, vector<16xi32>,
      %get3A_750 = arith.constant 103 : i32
      %get3A_751 = arith.index_cast %get3A_750 : i32 to index
      %get3A_752 = arith.index_cast %mul3A_15 : i32 to index
      %get3A_753 = tpu.vector_load %arg5[%get3A_751, %get3A_752] {strides = array<i32>} : memref<200x512xi32, #tpu.memory_space<vmem>>, vector<16xi32>,
      %pack3A_754 = tpu.pack_subelements %get3A_741, %get3A_745 {pack_format = #tpu.pack_format<interleaved>, positions = array<i32: 0, 1>} : vector<16xi32>, vector<16xi32> -> vector<32xi16>
      %pack3A_755 = tpu.pack_subelements %get3A_749, %get3A_753 {pack_format = #tpu.pack_format<interleaved>, positions = array<i32: 0, 1>} : vector<16xi32>, vector<16xi32> -> vector<32xi16>
      %pack3A_756 = tpu.pack_subelements %pack3A_754, %pack3A_755 {pack_format = #tpu.pack_format<interleaved>, positions = array<i32: 0, 1>} : vector<32xi16>, vector<32xi16> -> vector<64xi8>
      %bitcast3A_757 = vector.bitcast %pack3A_756 : vector<64xi8> to vector<16xi32>
      %and3A_758 = arith.andi %bitcast3A_757, %broadcast_in_dim3A_3 : vector<16xi32>
      %shift_right_arithmetic3A_759 = arith.constant 1 : i32
      %shift_right_arithmetic3A_760 = vector.broadcast %shift_right_arithmetic3A_759 : i32 to vector<16xi32>
      %shift_right_arithmetic3A_761 = arith.shrsi %bitcast3A_757, %shift_right_arithmetic3A_760 : vector<16xi32>
      %and3A_762 = arith.andi %shift_right_arithmetic3A_761, %broadcast_in_dim3A_3 : vector<16xi32>
      %add3A_763 = arith.addi %add3A_734, %and3A_758 : vector<16xi32>
      %add3A_764 = arith.addi %add3A_735, %and3A_762 : vector<16xi32>
      %and3A_765 = arith.andi %and3A_758, %and3A_762 : vector<16xi32>
      %add3A_766 = arith.addi %add3A_737, %and3A_765 : vector<16xi32>
      %get3A_767 = arith.constant 104 : i32
      %get3A_768 = arith.index_cast %get3A_767 : i32 to index
      %get3A_769 = arith.index_cast %mul3A_15 : i32 to index
      %get3A_770 = tpu.vector_load %arg5[%get3A_768, %get3A_769] {strides = array<i32>} : memref<200x512xi32, #tpu.memory_space<vmem>>, vector<16xi32>,
      %get3A_771 = arith.constant 105 : i32
      %get3A_772 = arith.index_cast %get3A_771 : i32 to index
      %get3A_773 = arith.index_cast %mul3A_15 : i32 to index
      %get3A_774 = tpu.vector_load %arg5[%get3A_772, %get3A_773] {strides = array<i32>} : memref<200x512xi32, #tpu.memory_space<vmem>>, vector<16xi32>,
      %get3A_775 = arith.constant 106 : i32
      %get3A_776 = arith.index_cast %get3A_775 : i32 to index
      %get3A_777 = arith.index_cast %mul3A_15 : i32 to index
      %get3A_778 = tpu.vector_load %arg5[%get3A_776, %get3A_777] {strides = array<i32>} : memref<200x512xi32, #tpu.memory_space<vmem>>, vector<16xi32>,
      %get3A_779 = arith.constant 107 : i32
      %get3A_780 = arith.index_cast %get3A_779 : i32 to index
      %get3A_781 = arith.index_cast %mul3A_15 : i32 to index
      %get3A_782 = tpu.vector_load %arg5[%get3A_780, %get3A_781] {strides = array<i32>} : memref<200x512xi32, #tpu.memory_space<vmem>>, vector<16xi32>,
      %pack3A_783 = tpu.pack_subelements %get3A_770, %get3A_774 {pack_format = #tpu.pack_format<interleaved>, positions = array<i32: 0, 1>} : vector<16xi32>, vector<16xi32> -> vector<32xi16>
      %pack3A_784 = tpu.pack_subelements %get3A_778, %get3A_782 {pack_format = #tpu.pack_format<interleaved>, positions = array<i32: 0, 1>} : vector<16xi32>, vector<16xi32> -> vector<32xi16>
      %pack3A_785 = tpu.pack_subelements %pack3A_783, %pack3A_784 {pack_format = #tpu.pack_format<interleaved>, positions = array<i32: 0, 1>} : vector<32xi16>, vector<32xi16> -> vector<64xi8>
      %bitcast3A_786 = vector.bitcast %pack3A_785 : vector<64xi8> to vector<16xi32>
      %and3A_787 = arith.andi %bitcast3A_786, %broadcast_in_dim3A_3 : vector<16xi32>
      %shift_right_arithmetic3A_788 = arith.constant 1 : i32
      %shift_right_arithmetic3A_789 = vector.broadcast %shift_right_arithmetic3A_788 : i32 to vector<16xi32>
      %shift_right_arithmetic3A_790 = arith.shrsi %bitcast3A_786, %shift_right_arithmetic3A_789 : vector<16xi32>
      %and3A_791 = arith.andi %shift_right_arithmetic3A_790, %broadcast_in_dim3A_3 : vector<16xi32>
      %add3A_792 = arith.addi %add3A_763, %and3A_787 : vector<16xi32>
      %add3A_793 = arith.addi %add3A_764, %and3A_791 : vector<16xi32>
      %and3A_794 = arith.andi %and3A_787, %and3A_791 : vector<16xi32>
      %add3A_795 = arith.addi %add3A_766, %and3A_794 : vector<16xi32>
      %get3A_796 = arith.constant 108 : i32
      %get3A_797 = arith.index_cast %get3A_796 : i32 to index
      %get3A_798 = arith.index_cast %mul3A_15 : i32 to index
      %get3A_799 = tpu.vector_load %arg5[%get3A_797, %get3A_798] {strides = array<i32>} : memref<200x512xi32, #tpu.memory_space<vmem>>, vector<16xi32>,
      %get3A_800 = arith.constant 109 : i32
      %get3A_801 = arith.index_cast %get3A_800 : i32 to index
      %get3A_802 = arith.index_cast %mul3A_15 : i32 to index
      %get3A_803 = tpu.vector_load %arg5[%get3A_801, %get3A_802] {strides = array<i32>} : memref<200x512xi32, #tpu.memory_space<vmem>>, vector<16xi32>,
      %get3A_804 = arith.constant 110 : i32
      %get3A_805 = arith.index_cast %get3A_804 : i32 to index
      %get3A_806 = arith.index_cast %mul3A_15 : i32 to index
      %get3A_807 = tpu.vector_load %arg5[%get3A_805, %get3A_806] {strides = array<i32>} : memref<200x512xi32, #tpu.memory_space<vmem>>, vector<16xi32>,
      %get3A_808 = arith.constant 111 : i32
      %get3A_809 = arith.index_cast %get3A_808 : i32 to index
      %get3A_810 = arith.index_cast %mul3A_15 : i32 to index
      %get3A_811 = tpu.vector_load %arg5[%get3A_809, %get3A_810] {strides = array<i32>} : memref<200x512xi32, #tpu.memory_space<vmem>>, vector<16xi32>,
      %pack3A_812 = tpu.pack_subelements %get3A_799, %get3A_803 {pack_format = #tpu.pack_format<interleaved>, positions = array<i32: 0, 1>} : vector<16xi32>, vector<16xi32> -> vector<32xi16>
      %pack3A_813 = tpu.pack_subelements %get3A_807, %get3A_811 {pack_format = #tpu.pack_format<interleaved>, positions = array<i32: 0, 1>} : vector<16xi32>, vector<16xi32> -> vector<32xi16>
      %pack3A_814 = tpu.pack_subelements %pack3A_812, %pack3A_813 {pack_format = #tpu.pack_format<interleaved>, positions = array<i32: 0, 1>} : vector<32xi16>, vector<32xi16> -> vector<64xi8>
      %bitcast3A_815 = vector.bitcast %pack3A_814 : vector<64xi8> to vector<16xi32>
      %and3A_816 = arith.andi %bitcast3A_815, %broadcast_in_dim3A_3 : vector<16xi32>
      %shift_right_arithmetic3A_817 = arith.constant 1 : i32
      %shift_right_arithmetic3A_818 = vector.broadcast %shift_right_arithmetic3A_817 : i32 to vector<16xi32>
      %shift_right_arithmetic3A_819 = arith.shrsi %bitcast3A_815, %shift_right_arithmetic3A_818 : vector<16xi32>
      %and3A_820 = arith.andi %shift_right_arithmetic3A_819, %broadcast_in_dim3A_3 : vector<16xi32>
      %add3A_821 = arith.addi %add3A_792, %and3A_816 : vector<16xi32>
      %add3A_822 = arith.addi %add3A_793, %and3A_820 : vector<16xi32>
      %and3A_823 = arith.andi %and3A_816, %and3A_820 : vector<16xi32>
      %add3A_824 = arith.addi %add3A_795, %and3A_823 : vector<16xi32>
      %get3A_825 = arith.constant 112 : i32
      %get3A_826 = arith.index_cast %get3A_825 : i32 to index
      %get3A_827 = arith.index_cast %mul3A_15 : i32 to index
      %get3A_828 = tpu.vector_load %arg5[%get3A_826, %get3A_827] {strides = array<i32>} : memref<200x512xi32, #tpu.memory_space<vmem>>, vector<16xi32>,
      %get3A_829 = arith.constant 113 : i32
      %get3A_830 = arith.index_cast %get3A_829 : i32 to index
      %get3A_831 = arith.index_cast %mul3A_15 : i32 to index
      %get3A_832 = tpu.vector_load %arg5[%get3A_830, %get3A_831] {strides = array<i32>} : memref<200x512xi32, #tpu.memory_space<vmem>>, vector<16xi32>,
      %get3A_833 = arith.constant 114 : i32
      %get3A_834 = arith.index_cast %get3A_833 : i32 to index
      %get3A_835 = arith.index_cast %mul3A_15 : i32 to index
      %get3A_836 = tpu.vector_load %arg5[%get3A_834, %get3A_835] {strides = array<i32>} : memref<200x512xi32, #tpu.memory_space<vmem>>, vector<16xi32>,
      %get3A_837 = arith.constant 115 : i32
      %get3A_838 = arith.index_cast %get3A_837 : i32 to index
      %get3A_839 = arith.index_cast %mul3A_15 : i32 to index
      %get3A_840 = tpu.vector_load %arg5[%get3A_838, %get3A_839] {strides = array<i32>} : memref<200x512xi32, #tpu.memory_space<vmem>>, vector<16xi32>,
      %pack3A_841 = tpu.pack_subelements %get3A_828, %get3A_832 {pack_format = #tpu.pack_format<interleaved>, positions = array<i32: 0, 1>} : vector<16xi32>, vector<16xi32> -> vector<32xi16>
      %pack3A_842 = tpu.pack_subelements %get3A_836, %get3A_840 {pack_format = #tpu.pack_format<interleaved>, positions = array<i32: 0, 1>} : vector<16xi32>, vector<16xi32> -> vector<32xi16>
      %pack3A_843 = tpu.pack_subelements %pack3A_841, %pack3A_842 {pack_format = #tpu.pack_format<interleaved>, positions = array<i32: 0, 1>} : vector<32xi16>, vector<32xi16> -> vector<64xi8>
      %bitcast3A_844 = vector.bitcast %pack3A_843 : vector<64xi8> to vector<16xi32>
      %and3A_845 = arith.andi %bitcast3A_844, %broadcast_in_dim3A_3 : vector<16xi32>
      %shift_right_arithmetic3A_846 = arith.constant 1 : i32
      %shift_right_arithmetic3A_847 = vector.broadcast %shift_right_arithmetic3A_846 : i32 to vector<16xi32>
      %shift_right_arithmetic3A_848 = arith.shrsi %bitcast3A_844, %shift_right_arithmetic3A_847 : vector<16xi32>
      %and3A_849 = arith.andi %shift_right_arithmetic3A_848, %broadcast_in_dim3A_3 : vector<16xi32>
      %add3A_850 = arith.addi %add3A_821, %and3A_845 : vector<16xi32>
      %add3A_851 = arith.addi %add3A_822, %and3A_849 : vector<16xi32>
      %and3A_852 = arith.andi %and3A_845, %and3A_849 : vector<16xi32>
      %add3A_853 = arith.addi %add3A_824, %and3A_852 : vector<16xi32>
      %get3A_854 = arith.constant 116 : i32
      %get3A_855 = arith.index_cast %get3A_854 : i32 to index
      %get3A_856 = arith.index_cast %mul3A_15 : i32 to index
      %get3A_857 = tpu.vector_load %arg5[%get3A_855, %get3A_856] {strides = array<i32>} : memref<200x512xi32, #tpu.memory_space<vmem>>, vector<16xi32>,
      %get3A_858 = arith.constant 117 : i32
      %get3A_859 = arith.index_cast %get3A_858 : i32 to index
      %get3A_860 = arith.index_cast %mul3A_15 : i32 to index
      %get3A_861 = tpu.vector_load %arg5[%get3A_859, %get3A_860] {strides = array<i32>} : memref<200x512xi32, #tpu.memory_space<vmem>>, vector<16xi32>,
      %get3A_862 = arith.constant 118 : i32
      %get3A_863 = arith.index_cast %get3A_862 : i32 to index
      %get3A_864 = arith.index_cast %mul3A_15 : i32 to index
      %get3A_865 = tpu.vector_load %arg5[%get3A_863, %get3A_864] {strides = array<i32>} : memref<200x512xi32, #tpu.memory_space<vmem>>, vector<16xi32>,
      %get3A_866 = arith.constant 119 : i32
      %get3A_867 = arith.index_cast %get3A_866 : i32 to index
      %get3A_868 = arith.index_cast %mul3A_15 : i32 to index
      %get3A_869 = tpu.vector_load %arg5[%get3A_867, %get3A_868] {strides = array<i32>} : memref<200x512xi32, #tpu.memory_space<vmem>>, vector<16xi32>,
      %pack3A_870 = tpu.pack_subelements %get3A_857, %get3A_861 {pack_format = #tpu.pack_format<interleaved>, positions = array<i32: 0, 1>} : vector<16xi32>, vector<16xi32> -> vector<32xi16>
      %pack3A_871 = tpu.pack_subelements %get3A_865, %get3A_869 {pack_format = #tpu.pack_format<interleaved>, positions = array<i32: 0, 1>} : vector<16xi32>, vector<16xi32> -> vector<32xi16>
      %pack3A_872 = tpu.pack_subelements %pack3A_870, %pack3A_871 {pack_format = #tpu.pack_format<interleaved>, positions = array<i32: 0, 1>} : vector<32xi16>, vector<32xi16> -> vector<64xi8>
      %bitcast3A_873 = vector.bitcast %pack3A_872 : vector<64xi8> to vector<16xi32>
      %and3A_874 = arith.andi %bitcast3A_873, %broadcast_in_dim3A_3 : vector<16xi32>
      %shift_right_arithmetic3A_875 = arith.constant 1 : i32
      %shift_right_arithmetic3A_876 = vector.broadcast %shift_right_arithmetic3A_875 : i32 to vector<16xi32>
      %shift_right_arithmetic3A_877 = arith.shrsi %bitcast3A_873, %shift_right_arithmetic3A_876 : vector<16xi32>
      %and3A_878 = arith.andi %shift_right_arithmetic3A_877, %broadcast_in_dim3A_3 : vector<16xi32>
      %add3A_879 = arith.addi %add3A_850, %and3A_874 : vector<16xi32>
      %add3A_880 = arith.addi %add3A_851, %and3A_878 : vector<16xi32>
      %and3A_881 = arith.andi %and3A_874, %and3A_878 : vector<16xi32>
      %add3A_882 = arith.addi %add3A_853, %and3A_881 : vector<16xi32>
      %get3A_883 = arith.constant 120 : i32
      %get3A_884 = arith.index_cast %get3A_883 : i32 to index
      %get3A_885 = arith.index_cast %mul3A_15 : i32 to index
      %get3A_886 = tpu.vector_load %arg5[%get3A_884, %get3A_885] {strides = array<i32>} : memref<200x512xi32, #tpu.memory_space<vmem>>, vector<16xi32>,
      %get3A_887 = arith.constant 121 : i32
      %get3A_888 = arith.index_cast %get3A_887 : i32 to index
      %get3A_889 = arith.index_cast %mul3A_15 : i32 to index
      %get3A_890 = tpu.vector_load %arg5[%get3A_888, %get3A_889] {strides = array<i32>} : memref<200x512xi32, #tpu.memory_space<vmem>>, vector<16xi32>,
      %get3A_891 = arith.constant 122 : i32
      %get3A_892 = arith.index_cast %get3A_891 : i32 to index
      %get3A_893 = arith.index_cast %mul3A_15 : i32 to index
      %get3A_894 = tpu.vector_load %arg5[%get3A_892, %get3A_893] {strides = array<i32>} : memref<200x512xi32, #tpu.memory_space<vmem>>, vector<16xi32>,
      %get3A_895 = arith.constant 123 : i32
      %get3A_896 = arith.index_cast %get3A_895 : i32 to index
      %get3A_897 = arith.index_cast %mul3A_15 : i32 to index
      %get3A_898 = tpu.vector_load %arg5[%get3A_896, %get3A_897] {strides = array<i32>} : memref<200x512xi32, #tpu.memory_space<vmem>>, vector<16xi32>,
      %pack3A_899 = tpu.pack_subelements %get3A_886, %get3A_890 {pack_format = #tpu.pack_format<interleaved>, positions = array<i32: 0, 1>} : vector<16xi32>, vector<16xi32> -> vector<32xi16>
      %pack3A_900 = tpu.pack_subelements %get3A_894, %get3A_898 {pack_format = #tpu.pack_format<interleaved>, positions = array<i32: 0, 1>} : vector<16xi32>, vector<16xi32> -> vector<32xi16>
      %pack3A_901 = tpu.pack_subelements %pack3A_899, %pack3A_900 {pack_format = #tpu.pack_format<interleaved>, positions = array<i32: 0, 1>} : vector<32xi16>, vector<32xi16> -> vector<64xi8>
      %bitcast3A_902 = vector.bitcast %pack3A_901 : vector<64xi8> to vector<16xi32>
      %and3A_903 = arith.andi %bitcast3A_902, %broadcast_in_dim3A_3 : vector<16xi32>
      %shift_right_arithmetic3A_904 = arith.constant 1 : i32
      %shift_right_arithmetic3A_905 = vector.broadcast %shift_right_arithmetic3A_904 : i32 to vector<16xi32>
      %shift_right_arithmetic3A_906 = arith.shrsi %bitcast3A_902, %shift_right_arithmetic3A_905 : vector<16xi32>
      %and3A_907 = arith.andi %shift_right_arithmetic3A_906, %broadcast_in_dim3A_3 : vector<16xi32>
      %add3A_908 = arith.addi %add3A_879, %and3A_903 : vector<16xi32>
      %add3A_909 = arith.addi %add3A_880, %and3A_907 : vector<16xi32>
      %and3A_910 = arith.andi %and3A_903, %and3A_907 : vector<16xi32>
      %add3A_911 = arith.addi %add3A_882, %and3A_910 : vector<16xi32>
      %get3A_912 = arith.constant 124 : i32
      %get3A_913 = arith.index_cast %get3A_912 : i32 to index
      %get3A_914 = arith.index_cast %mul3A_15 : i32 to index
      %get3A_915 = tpu.vector_load %arg5[%get3A_913, %get3A_914] {strides = array<i32>} : memref<200x512xi32, #tpu.memory_space<vmem>>, vector<16xi32>,
      %get3A_916 = arith.constant 125 : i32
      %get3A_917 = arith.index_cast %get3A_916 : i32 to index
      %get3A_918 = arith.index_cast %mul3A_15 : i32 to index
      %get3A_919 = tpu.vector_load %arg5[%get3A_917, %get3A_918] {strides = array<i32>} : memref<200x512xi32, #tpu.memory_space<vmem>>, vector<16xi32>,
      %get3A_920 = arith.constant 126 : i32
      %get3A_921 = arith.index_cast %get3A_920 : i32 to index
      %get3A_922 = arith.index_cast %mul3A_15 : i32 to index
      %get3A_923 = tpu.vector_load %arg5[%get3A_921, %get3A_922] {strides = array<i32>} : memref<200x512xi32, #tpu.memory_space<vmem>>, vector<16xi32>,
      %get3A_924 = arith.constant 127 : i32
      %get3A_925 = arith.index_cast %get3A_924 : i32 to index
      %get3A_926 = arith.index_cast %mul3A_15 : i32 to index
      %get3A_927 = tpu.vector_load %arg5[%get3A_925, %get3A_926] {strides = array<i32>} : memref<200x512xi32, #tpu.memory_space<vmem>>, vector<16xi32>,
      %pack3A_928 = tpu.pack_subelements %get3A_915, %get3A_919 {pack_format = #tpu.pack_format<interleaved>, positions = array<i32: 0, 1>} : vector<16xi32>, vector<16xi32> -> vector<32xi16>
      %pack3A_929 = tpu.pack_subelements %get3A_923, %get3A_927 {pack_format = #tpu.pack_format<interleaved>, positions = array<i32: 0, 1>} : vector<16xi32>, vector<16xi32> -> vector<32xi16>
      %pack3A_930 = tpu.pack_subelements %pack3A_928, %pack3A_929 {pack_format = #tpu.pack_format<interleaved>, positions = array<i32: 0, 1>} : vector<32xi16>, vector<32xi16> -> vector<64xi8>
      %bitcast3A_931 = vector.bitcast %pack3A_930 : vector<64xi8> to vector<16xi32>
      %and3A_932 = arith.andi %bitcast3A_931, %broadcast_in_dim3A_3 : vector<16xi32>
      %shift_right_arithmetic3A_933 = arith.constant 1 : i32
      %shift_right_arithmetic3A_934 = vector.broadcast %shift_right_arithmetic3A_933 : i32 to vector<16xi32>
      %shift_right_arithmetic3A_935 = arith.shrsi %bitcast3A_931, %shift_right_arithmetic3A_934 : vector<16xi32>
      %and3A_936 = arith.andi %shift_right_arithmetic3A_935, %broadcast_in_dim3A_3 : vector<16xi32>
      %add3A_937 = arith.addi %add3A_908, %and3A_932 : vector<16xi32>
      %add3A_938 = arith.addi %add3A_909, %and3A_936 : vector<16xi32>
      %and3A_939 = arith.andi %and3A_932, %and3A_936 : vector<16xi32>
      %add3A_940 = arith.addi %add3A_911, %and3A_939 : vector<16xi32>
      %get3A_941 = arith.constant 128 : i32
      %get3A_942 = arith.index_cast %get3A_941 : i32 to index
      %get3A_943 = arith.index_cast %mul3A_15 : i32 to index
      %get3A_944 = tpu.vector_load %arg5[%get3A_942, %get3A_943] {strides = array<i32>} : memref<200x512xi32, #tpu.memory_space<vmem>>, vector<16xi32>,
      %get3A_945 = arith.constant 129 : i32
      %get3A_946 = arith.index_cast %get3A_945 : i32 to index
      %get3A_947 = arith.index_cast %mul3A_15 : i32 to index
      %get3A_948 = tpu.vector_load %arg5[%get3A_946, %get3A_947] {strides = array<i32>} : memref<200x512xi32, #tpu.memory_space<vmem>>, vector<16xi32>,
      %get3A_949 = arith.constant 130 : i32
      %get3A_950 = arith.index_cast %get3A_949 : i32 to index
      %get3A_951 = arith.index_cast %mul3A_15 : i32 to index
      %get3A_952 = tpu.vector_load %arg5[%get3A_950, %get3A_951] {strides = array<i32>} : memref<200x512xi32, #tpu.memory_space<vmem>>, vector<16xi32>,
      %get3A_953 = arith.constant 131 : i32
      %get3A_954 = arith.index_cast %get3A_953 : i32 to index
      %get3A_955 = arith.index_cast %mul3A_15 : i32 to index
      %get3A_956 = tpu.vector_load %arg5[%get3A_954, %get3A_955] {strides = array<i32>} : memref<200x512xi32, #tpu.memory_space<vmem>>, vector<16xi32>,
      %pack3A_957 = tpu.pack_subelements %get3A_944, %get3A_948 {pack_format = #tpu.pack_format<interleaved>, positions = array<i32: 0, 1>} : vector<16xi32>, vector<16xi32> -> vector<32xi16>
      %pack3A_958 = tpu.pack_subelements %get3A_952, %get3A_956 {pack_format = #tpu.pack_format<interleaved>, positions = array<i32: 0, 1>} : vector<16xi32>, vector<16xi32> -> vector<32xi16>
      %pack3A_959 = tpu.pack_subelements %pack3A_957, %pack3A_958 {pack_format = #tpu.pack_format<interleaved>, positions = array<i32: 0, 1>} : vector<32xi16>, vector<32xi16> -> vector<64xi8>
      %bitcast3A_960 = vector.bitcast %pack3A_959 : vector<64xi8> to vector<16xi32>
      %and3A_961 = arith.andi %bitcast3A_960, %broadcast_in_dim3A_3 : vector<16xi32>
      %shift_right_arithmetic3A_962 = arith.constant 1 : i32
      %shift_right_arithmetic3A_963 = vector.broadcast %shift_right_arithmetic3A_962 : i32 to vector<16xi32>
      %shift_right_arithmetic3A_964 = arith.shrsi %bitcast3A_960, %shift_right_arithmetic3A_963 : vector<16xi32>
      %and3A_965 = arith.andi %shift_right_arithmetic3A_964, %broadcast_in_dim3A_3 : vector<16xi32>
      %add3A_966 = arith.addi %add3A_937, %and3A_961 : vector<16xi32>
      %add3A_967 = arith.addi %add3A_938, %and3A_965 : vector<16xi32>
      %and3A_968 = arith.andi %and3A_961, %and3A_965 : vector<16xi32>
      %add3A_969 = arith.addi %add3A_940, %and3A_968 : vector<16xi32>
      %get3A_970 = arith.constant 132 : i32
      %get3A_971 = arith.index_cast %get3A_970 : i32 to index
      %get3A_972 = arith.index_cast %mul3A_15 : i32 to index
      %get3A_973 = tpu.vector_load %arg5[%get3A_971, %get3A_972] {strides = array<i32>} : memref<200x512xi32, #tpu.memory_space<vmem>>, vector<16xi32>,
      %get3A_974 = arith.constant 133 : i32
      %get3A_975 = arith.index_cast %get3A_974 : i32 to index
      %get3A_976 = arith.index_cast %mul3A_15 : i32 to index
      %get3A_977 = tpu.vector_load %arg5[%get3A_975, %get3A_976] {strides = array<i32>} : memref<200x512xi32, #tpu.memory_space<vmem>>, vector<16xi32>,
      %get3A_978 = arith.constant 134 : i32
      %get3A_979 = arith.index_cast %get3A_978 : i32 to index
      %get3A_980 = arith.index_cast %mul3A_15 : i32 to index
      %get3A_981 = tpu.vector_load %arg5[%get3A_979, %get3A_980] {strides = array<i32>} : memref<200x512xi32, #tpu.memory_space<vmem>>, vector<16xi32>,
      %get3A_982 = arith.constant 135 : i32
      %get3A_983 = arith.index_cast %get3A_982 : i32 to index
      %get3A_984 = arith.index_cast %mul3A_15 : i32 to index
      %get3A_985 = tpu.vector_load %arg5[%get3A_983, %get3A_984] {strides = array<i32>} : memref<200x512xi32, #tpu.memory_space<vmem>>, vector<16xi32>,
      %pack3A_986 = tpu.pack_subelements %get3A_973, %get3A_977 {pack_format = #tpu.pack_format<interleaved>, positions = array<i32: 0, 1>} : vector<16xi32>, vector<16xi32> -> vector<32xi16>
      %pack3A_987 = tpu.pack_subelements %get3A_981, %get3A_985 {pack_format = #tpu.pack_format<interleaved>, positions = array<i32: 0, 1>} : vector<16xi32>, vector<16xi32> -> vector<32xi16>
      %pack3A_988 = tpu.pack_subelements %pack3A_986, %pack3A_987 {pack_format = #tpu.pack_format<interleaved>, positions = array<i32: 0, 1>} : vector<32xi16>, vector<32xi16> -> vector<64xi8>
      %bitcast3A_989 = vector.bitcast %pack3A_988 : vector<64xi8> to vector<16xi32>
      %and3A_990 = arith.andi %bitcast3A_989, %broadcast_in_dim3A_3 : vector<16xi32>
      %shift_right_arithmetic3A_991 = arith.constant 1 : i32
      %shift_right_arithmetic3A_992 = vector.broadcast %shift_right_arithmetic3A_991 : i32 to vector<16xi32>
      %shift_right_arithmetic3A_993 = arith.shrsi %bitcast3A_989, %shift_right_arithmetic3A_992 : vector<16xi32>
      %and3A_994 = arith.andi %shift_right_arithmetic3A_993, %broadcast_in_dim3A_3 : vector<16xi32>
      %add3A_995 = arith.addi %add3A_966, %and3A_990 : vector<16xi32>
      %add3A_996 = arith.addi %add3A_967, %and3A_994 : vector<16xi32>
      %and3A_997 = arith.andi %and3A_990, %and3A_994 : vector<16xi32>
      %add3A_998 = arith.addi %add3A_969, %and3A_997 : vector<16xi32>
      %get3A_999 = arith.constant 136 : i32
      %get3A_1000 = arith.index_cast %get3A_999 : i32 to index
      %get3A_1001 = arith.index_cast %mul3A_15 : i32 to index
      %get3A_1002 = tpu.vector_load %arg5[%get3A_1000, %get3A_1001] {strides = array<i32>} : memref<200x512xi32, #tpu.memory_space<vmem>>, vector<16xi32>,
      %get3A_1003 = arith.constant 137 : i32
      %get3A_1004 = arith.index_cast %get3A_1003 : i32 to index
      %get3A_1005 = arith.index_cast %mul3A_15 : i32 to index
      %get3A_1006 = tpu.vector_load %arg5[%get3A_1004, %get3A_1005] {strides = array<i32>} : memref<200x512xi32, #tpu.memory_space<vmem>>, vector<16xi32>,
      %get3A_1007 = arith.constant 138 : i32
      %get3A_1008 = arith.index_cast %get3A_1007 : i32 to index
      %get3A_1009 = arith.index_cast %mul3A_15 : i32 to index
      %get3A_1010 = tpu.vector_load %arg5[%get3A_1008, %get3A_1009] {strides = array<i32>} : memref<200x512xi32, #tpu.memory_space<vmem>>, vector<16xi32>,
      %get3A_1011 = arith.constant 139 : i32
      %get3A_1012 = arith.index_cast %get3A_1011 : i32 to index
      %get3A_1013 = arith.index_cast %mul3A_15 : i32 to index
      %get3A_1014 = tpu.vector_load %arg5[%get3A_1012, %get3A_1013] {strides = array<i32>} : memref<200x512xi32, #tpu.memory_space<vmem>>, vector<16xi32>,
      %pack3A_1015 = tpu.pack_subelements %get3A_1002, %get3A_1006 {pack_format = #tpu.pack_format<interleaved>, positions = array<i32: 0, 1>} : vector<16xi32>, vector<16xi32> -> vector<32xi16>
      %pack3A_1016 = tpu.pack_subelements %get3A_1010, %get3A_1014 {pack_format = #tpu.pack_format<interleaved>, positions = array<i32: 0, 1>} : vector<16xi32>, vector<16xi32> -> vector<32xi16>
      %pack3A_1017 = tpu.pack_subelements %pack3A_1015, %pack3A_1016 {pack_format = #tpu.pack_format<interleaved>, positions = array<i32: 0, 1>} : vector<32xi16>, vector<32xi16> -> vector<64xi8>
      %bitcast3A_1018 = vector.bitcast %pack3A_1017 : vector<64xi8> to vector<16xi32>
      %and3A_1019 = arith.andi %bitcast3A_1018, %broadcast_in_dim3A_3 : vector<16xi32>
      %shift_right_arithmetic3A_1020 = arith.constant 1 : i32
      %shift_right_arithmetic3A_1021 = vector.broadcast %shift_right_arithmetic3A_1020 : i32 to vector<16xi32>
      %shift_right_arithmetic3A_1022 = arith.shrsi %bitcast3A_1018, %shift_right_arithmetic3A_1021 : vector<16xi32>
      %and3A_1023 = arith.andi %shift_right_arithmetic3A_1022, %broadcast_in_dim3A_3 : vector<16xi32>
      %add3A_1024 = arith.addi %add3A_995, %and3A_1019 : vector<16xi32>
      %add3A_1025 = arith.addi %add3A_996, %and3A_1023 : vector<16xi32>
      %and3A_1026 = arith.andi %and3A_1019, %and3A_1023 : vector<16xi32>
      %add3A_1027 = arith.addi %add3A_998, %and3A_1026 : vector<16xi32>
      %get3A_1028 = arith.constant 140 : i32
      %get3A_1029 = arith.index_cast %get3A_1028 : i32 to index
      %get3A_1030 = arith.index_cast %mul3A_15 : i32 to index
      %get3A_1031 = tpu.vector_load %arg5[%get3A_1029, %get3A_1030] {strides = array<i32>} : memref<200x512xi32, #tpu.memory_space<vmem>>, vector<16xi32>,
      %get3A_1032 = arith.constant 141 : i32
      %get3A_1033 = arith.index_cast %get3A_1032 : i32 to index
      %get3A_1034 = arith.index_cast %mul3A_15 : i32 to index
      %get3A_1035 = tpu.vector_load %arg5[%get3A_1033, %get3A_1034] {strides = array<i32>} : memref<200x512xi32, #tpu.memory_space<vmem>>, vector<16xi32>,
      %get3A_1036 = arith.constant 142 : i32
      %get3A_1037 = arith.index_cast %get3A_1036 : i32 to index
      %get3A_1038 = arith.index_cast %mul3A_15 : i32 to index
      %get3A_1039 = tpu.vector_load %arg5[%get3A_1037, %get3A_1038] {strides = array<i32>} : memref<200x512xi32, #tpu.memory_space<vmem>>, vector<16xi32>,
      %get3A_1040 = arith.constant 143 : i32
      %get3A_1041 = arith.index_cast %get3A_1040 : i32 to index
      %get3A_1042 = arith.index_cast %mul3A_15 : i32 to index
      %get3A_1043 = tpu.vector_load %arg5[%get3A_1041, %get3A_1042] {strides = array<i32>} : memref<200x512xi32, #tpu.memory_space<vmem>>, vector<16xi32>,
      %pack3A_1044 = tpu.pack_subelements %get3A_1031, %get3A_1035 {pack_format = #tpu.pack_format<interleaved>, positions = array<i32: 0, 1>} : vector<16xi32>, vector<16xi32> -> vector<32xi16>
      %pack3A_1045 = tpu.pack_subelements %get3A_1039, %get3A_1043 {pack_format = #tpu.pack_format<interleaved>, positions = array<i32: 0, 1>} : vector<16xi32>, vector<16xi32> -> vector<32xi16>
      %pack3A_1046 = tpu.pack_subelements %pack3A_1044, %pack3A_1045 {pack_format = #tpu.pack_format<interleaved>, positions = array<i32: 0, 1>} : vector<32xi16>, vector<32xi16> -> vector<64xi8>
      %bitcast3A_1047 = vector.bitcast %pack3A_1046 : vector<64xi8> to vector<16xi32>
      %and3A_1048 = arith.andi %bitcast3A_1047, %broadcast_in_dim3A_3 : vector<16xi32>
      %shift_right_arithmetic3A_1049 = arith.constant 1 : i32
      %shift_right_arithmetic3A_1050 = vector.broadcast %shift_right_arithmetic3A_1049 : i32 to vector<16xi32>
      %shift_right_arithmetic3A_1051 = arith.shrsi %bitcast3A_1047, %shift_right_arithmetic3A_1050 : vector<16xi32>
      %and3A_1052 = arith.andi %shift_right_arithmetic3A_1051, %broadcast_in_dim3A_3 : vector<16xi32>
      %add3A_1053 = arith.addi %add3A_1024, %and3A_1048 : vector<16xi32>
      %add3A_1054 = arith.addi %add3A_1025, %and3A_1052 : vector<16xi32>
      %and3A_1055 = arith.andi %and3A_1048, %and3A_1052 : vector<16xi32>
      %add3A_1056 = arith.addi %add3A_1027, %and3A_1055 : vector<16xi32>
      %get3A_1057 = arith.constant 144 : i32
      %get3A_1058 = arith.index_cast %get3A_1057 : i32 to index
      %get3A_1059 = arith.index_cast %mul3A_15 : i32 to index
      %get3A_1060 = tpu.vector_load %arg5[%get3A_1058, %get3A_1059] {strides = array<i32>} : memref<200x512xi32, #tpu.memory_space<vmem>>, vector<16xi32>,
      %get3A_1061 = arith.constant 145 : i32
      %get3A_1062 = arith.index_cast %get3A_1061 : i32 to index
      %get3A_1063 = arith.index_cast %mul3A_15 : i32 to index
      %get3A_1064 = tpu.vector_load %arg5[%get3A_1062, %get3A_1063] {strides = array<i32>} : memref<200x512xi32, #tpu.memory_space<vmem>>, vector<16xi32>,
      %get3A_1065 = arith.constant 146 : i32
      %get3A_1066 = arith.index_cast %get3A_1065 : i32 to index
      %get3A_1067 = arith.index_cast %mul3A_15 : i32 to index
      %get3A_1068 = tpu.vector_load %arg5[%get3A_1066, %get3A_1067] {strides = array<i32>} : memref<200x512xi32, #tpu.memory_space<vmem>>, vector<16xi32>,
      %get3A_1069 = arith.constant 147 : i32
      %get3A_1070 = arith.index_cast %get3A_1069 : i32 to index
      %get3A_1071 = arith.index_cast %mul3A_15 : i32 to index
      %get3A_1072 = tpu.vector_load %arg5[%get3A_1070, %get3A_1071] {strides = array<i32>} : memref<200x512xi32, #tpu.memory_space<vmem>>, vector<16xi32>,
      %pack3A_1073 = tpu.pack_subelements %get3A_1060, %get3A_1064 {pack_format = #tpu.pack_format<interleaved>, positions = array<i32: 0, 1>} : vector<16xi32>, vector<16xi32> -> vector<32xi16>
      %pack3A_1074 = tpu.pack_subelements %get3A_1068, %get3A_1072 {pack_format = #tpu.pack_format<interleaved>, positions = array<i32: 0, 1>} : vector<16xi32>, vector<16xi32> -> vector<32xi16>
      %pack3A_1075 = tpu.pack_subelements %pack3A_1073, %pack3A_1074 {pack_format = #tpu.pack_format<interleaved>, positions = array<i32: 0, 1>} : vector<32xi16>, vector<32xi16> -> vector<64xi8>
      %bitcast3A_1076 = vector.bitcast %pack3A_1075 : vector<64xi8> to vector<16xi32>
      %and3A_1077 = arith.andi %bitcast3A_1076, %broadcast_in_dim3A_3 : vector<16xi32>
      %shift_right_arithmetic3A_1078 = arith.constant 1 : i32
      %shift_right_arithmetic3A_1079 = vector.broadcast %shift_right_arithmetic3A_1078 : i32 to vector<16xi32>
      %shift_right_arithmetic3A_1080 = arith.shrsi %bitcast3A_1076, %shift_right_arithmetic3A_1079 : vector<16xi32>
      %and3A_1081 = arith.andi %shift_right_arithmetic3A_1080, %broadcast_in_dim3A_3 : vector<16xi32>
      %add3A_1082 = arith.addi %add3A_1053, %and3A_1077 : vector<16xi32>
      %add3A_1083 = arith.addi %add3A_1054, %and3A_1081 : vector<16xi32>
      %and3A_1084 = arith.andi %and3A_1077, %and3A_1081 : vector<16xi32>
      %add3A_1085 = arith.addi %add3A_1056, %and3A_1084 : vector<16xi32>
      %get3A_1086 = arith.constant 148 : i32
      %get3A_1087 = arith.index_cast %get3A_1086 : i32 to index
      %get3A_1088 = arith.index_cast %mul3A_15 : i32 to index
      %get3A_1089 = tpu.vector_load %arg5[%get3A_1087, %get3A_1088] {strides = array<i32>} : memref<200x512xi32, #tpu.memory_space<vmem>>, vector<16xi32>,
      %get3A_1090 = arith.constant 149 : i32
      %get3A_1091 = arith.index_cast %get3A_1090 : i32 to index
      %get3A_1092 = arith.index_cast %mul3A_15 : i32 to index
      %get3A_1093 = tpu.vector_load %arg5[%get3A_1091, %get3A_1092] {strides = array<i32>} : memref<200x512xi32, #tpu.memory_space<vmem>>, vector<16xi32>,
      %get3A_1094 = arith.constant 150 : i32
      %get3A_1095 = arith.index_cast %get3A_1094 : i32 to index
      %get3A_1096 = arith.index_cast %mul3A_15 : i32 to index
      %get3A_1097 = tpu.vector_load %arg5[%get3A_1095, %get3A_1096] {strides = array<i32>} : memref<200x512xi32, #tpu.memory_space<vmem>>, vector<16xi32>,
      %get3A_1098 = arith.constant 151 : i32
      %get3A_1099 = arith.index_cast %get3A_1098 : i32 to index
      %get3A_1100 = arith.index_cast %mul3A_15 : i32 to index
      %get3A_1101 = tpu.vector_load %arg5[%get3A_1099, %get3A_1100] {strides = array<i32>} : memref<200x512xi32, #tpu.memory_space<vmem>>, vector<16xi32>,
      %pack3A_1102 = tpu.pack_subelements %get3A_1089, %get3A_1093 {pack_format = #tpu.pack_format<interleaved>, positions = array<i32: 0, 1>} : vector<16xi32>, vector<16xi32> -> vector<32xi16>
      %pack3A_1103 = tpu.pack_subelements %get3A_1097, %get3A_1101 {pack_format = #tpu.pack_format<interleaved>, positions = array<i32: 0, 1>} : vector<16xi32>, vector<16xi32> -> vector<32xi16>
      %pack3A_1104 = tpu.pack_subelements %pack3A_1102, %pack3A_1103 {pack_format = #tpu.pack_format<interleaved>, positions = array<i32: 0, 1>} : vector<32xi16>, vector<32xi16> -> vector<64xi8>
      %bitcast3A_1105 = vector.bitcast %pack3A_1104 : vector<64xi8> to vector<16xi32>
      %and3A_1106 = arith.andi %bitcast3A_1105, %broadcast_in_dim3A_3 : vector<16xi32>
      %shift_right_arithmetic3A_1107 = arith.constant 1 : i32
      %shift_right_arithmetic3A_1108 = vector.broadcast %shift_right_arithmetic3A_1107 : i32 to vector<16xi32>
      %shift_right_arithmetic3A_1109 = arith.shrsi %bitcast3A_1105, %shift_right_arithmetic3A_1108 : vector<16xi32>
      %and3A_1110 = arith.andi %shift_right_arithmetic3A_1109, %broadcast_in_dim3A_3 : vector<16xi32>
      %add3A_1111 = arith.addi %add3A_1082, %and3A_1106 : vector<16xi32>
      %add3A_1112 = arith.addi %add3A_1083, %and3A_1110 : vector<16xi32>
      %and3A_1113 = arith.andi %and3A_1106, %and3A_1110 : vector<16xi32>
      %add3A_1114 = arith.addi %add3A_1085, %and3A_1113 : vector<16xi32>
      %get3A_1115 = arith.constant 152 : i32
      %get3A_1116 = arith.index_cast %get3A_1115 : i32 to index
      %get3A_1117 = arith.index_cast %mul3A_15 : i32 to index
      %get3A_1118 = tpu.vector_load %arg5[%get3A_1116, %get3A_1117] {strides = array<i32>} : memref<200x512xi32, #tpu.memory_space<vmem>>, vector<16xi32>,
      %get3A_1119 = arith.constant 153 : i32
      %get3A_1120 = arith.index_cast %get3A_1119 : i32 to index
      %get3A_1121 = arith.index_cast %mul3A_15 : i32 to index
      %get3A_1122 = tpu.vector_load %arg5[%get3A_1120, %get3A_1121] {strides = array<i32>} : memref<200x512xi32, #tpu.memory_space<vmem>>, vector<16xi32>,
      %get3A_1123 = arith.constant 154 : i32
      %get3A_1124 = arith.index_cast %get3A_1123 : i32 to index
      %get3A_1125 = arith.index_cast %mul3A_15 : i32 to index
      %get3A_1126 = tpu.vector_load %arg5[%get3A_1124, %get3A_1125] {strides = array<i32>} : memref<200x512xi32, #tpu.memory_space<vmem>>, vector<16xi32>,
      %get3A_1127 = arith.constant 155 : i32
      %get3A_1128 = arith.index_cast %get3A_1127 : i32 to index
      %get3A_1129 = arith.index_cast %mul3A_15 : i32 to index
      %get3A_1130 = tpu.vector_load %arg5[%get3A_1128, %get3A_1129] {strides = array<i32>} : memref<200x512xi32, #tpu.memory_space<vmem>>, vector<16xi32>,
      %pack3A_1131 = tpu.pack_subelements %get3A_1118, %get3A_1122 {pack_format = #tpu.pack_format<interleaved>, positions = array<i32: 0, 1>} : vector<16xi32>, vector<16xi32> -> vector<32xi16>
      %pack3A_1132 = tpu.pack_subelements %get3A_1126, %get3A_1130 {pack_format = #tpu.pack_format<interleaved>, positions = array<i32: 0, 1>} : vector<16xi32>, vector<16xi32> -> vector<32xi16>
      %pack3A_1133 = tpu.pack_subelements %pack3A_1131, %pack3A_1132 {pack_format = #tpu.pack_format<interleaved>, positions = array<i32: 0, 1>} : vector<32xi16>, vector<32xi16> -> vector<64xi8>
      %bitcast3A_1134 = vector.bitcast %pack3A_1133 : vector<64xi8> to vector<16xi32>
      %and3A_1135 = arith.andi %bitcast3A_1134, %broadcast_in_dim3A_3 : vector<16xi32>
      %shift_right_arithmetic3A_1136 = arith.constant 1 : i32
      %shift_right_arithmetic3A_1137 = vector.broadcast %shift_right_arithmetic3A_1136 : i32 to vector<16xi32>
      %shift_right_arithmetic3A_1138 = arith.shrsi %bitcast3A_1134, %shift_right_arithmetic3A_1137 : vector<16xi32>
      %and3A_1139 = arith.andi %shift_right_arithmetic3A_1138, %broadcast_in_dim3A_3 : vector<16xi32>
      %add3A_1140 = arith.addi %add3A_1111, %and3A_1135 : vector<16xi32>
      %add3A_1141 = arith.addi %add3A_1112, %and3A_1139 : vector<16xi32>
      %and3A_1142 = arith.andi %and3A_1135, %and3A_1139 : vector<16xi32>
      %add3A_1143 = arith.addi %add3A_1114, %and3A_1142 : vector<16xi32>
      %get3A_1144 = arith.constant 156 : i32
      %get3A_1145 = arith.index_cast %get3A_1144 : i32 to index
      %get3A_1146 = arith.index_cast %mul3A_15 : i32 to index
      %get3A_1147 = tpu.vector_load %arg5[%get3A_1145, %get3A_1146] {strides = array<i32>} : memref<200x512xi32, #tpu.memory_space<vmem>>, vector<16xi32>,
      %get3A_1148 = arith.constant 157 : i32
      %get3A_1149 = arith.index_cast %get3A_1148 : i32 to index
      %get3A_1150 = arith.index_cast %mul3A_15 : i32 to index
      %get3A_1151 = tpu.vector_load %arg5[%get3A_1149, %get3A_1150] {strides = array<i32>} : memref<200x512xi32, #tpu.memory_space<vmem>>, vector<16xi32>,
      %get3A_1152 = arith.constant 158 : i32
      %get3A_1153 = arith.index_cast %get3A_1152 : i32 to index
      %get3A_1154 = arith.index_cast %mul3A_15 : i32 to index
      %get3A_1155 = tpu.vector_load %arg5[%get3A_1153, %get3A_1154] {strides = array<i32>} : memref<200x512xi32, #tpu.memory_space<vmem>>, vector<16xi32>,
      %get3A_1156 = arith.constant 159 : i32
      %get3A_1157 = arith.index_cast %get3A_1156 : i32 to index
      %get3A_1158 = arith.index_cast %mul3A_15 : i32 to index
      %get3A_1159 = tpu.vector_load %arg5[%get3A_1157, %get3A_1158] {strides = array<i32>} : memref<200x512xi32, #tpu.memory_space<vmem>>, vector<16xi32>,
      %pack3A_1160 = tpu.pack_subelements %get3A_1147, %get3A_1151 {pack_format = #tpu.pack_format<interleaved>, positions = array<i32: 0, 1>} : vector<16xi32>, vector<16xi32> -> vector<32xi16>
      %pack3A_1161 = tpu.pack_subelements %get3A_1155, %get3A_1159 {pack_format = #tpu.pack_format<interleaved>, positions = array<i32: 0, 1>} : vector<16xi32>, vector<16xi32> -> vector<32xi16>
      %pack3A_1162 = tpu.pack_subelements %pack3A_1160, %pack3A_1161 {pack_format = #tpu.pack_format<interleaved>, positions = array<i32: 0, 1>} : vector<32xi16>, vector<32xi16> -> vector<64xi8>
      %bitcast3A_1163 = vector.bitcast %pack3A_1162 : vector<64xi8> to vector<16xi32>
      %and3A_1164 = arith.andi %bitcast3A_1163, %broadcast_in_dim3A_3 : vector<16xi32>
      %shift_right_arithmetic3A_1165 = arith.constant 1 : i32
      %shift_right_arithmetic3A_1166 = vector.broadcast %shift_right_arithmetic3A_1165 : i32 to vector<16xi32>
      %shift_right_arithmetic3A_1167 = arith.shrsi %bitcast3A_1163, %shift_right_arithmetic3A_1166 : vector<16xi32>
      %and3A_1168 = arith.andi %shift_right_arithmetic3A_1167, %broadcast_in_dim3A_3 : vector<16xi32>
      %add3A_1169 = arith.addi %add3A_1140, %and3A_1164 : vector<16xi32>
      %add3A_1170 = arith.addi %add3A_1141, %and3A_1168 : vector<16xi32>
      %and3A_1171 = arith.andi %and3A_1164, %and3A_1168 : vector<16xi32>
      %add3A_1172 = arith.addi %add3A_1143, %and3A_1171 : vector<16xi32>
      %get3A_1173 = arith.constant 160 : i32
      %get3A_1174 = arith.index_cast %get3A_1173 : i32 to index
      %get3A_1175 = arith.index_cast %mul3A_15 : i32 to index
      %get3A_1176 = tpu.vector_load %arg5[%get3A_1174, %get3A_1175] {strides = array<i32>} : memref<200x512xi32, #tpu.memory_space<vmem>>, vector<16xi32>,
      %get3A_1177 = arith.constant 161 : i32
      %get3A_1178 = arith.index_cast %get3A_1177 : i32 to index
      %get3A_1179 = arith.index_cast %mul3A_15 : i32 to index
      %get3A_1180 = tpu.vector_load %arg5[%get3A_1178, %get3A_1179] {strides = array<i32>} : memref<200x512xi32, #tpu.memory_space<vmem>>, vector<16xi32>,
      %get3A_1181 = arith.constant 162 : i32
      %get3A_1182 = arith.index_cast %get3A_1181 : i32 to index
      %get3A_1183 = arith.index_cast %mul3A_15 : i32 to index
      %get3A_1184 = tpu.vector_load %arg5[%get3A_1182, %get3A_1183] {strides = array<i32>} : memref<200x512xi32, #tpu.memory_space<vmem>>, vector<16xi32>,
      %get3A_1185 = arith.constant 163 : i32
      %get3A_1186 = arith.index_cast %get3A_1185 : i32 to index
      %get3A_1187 = arith.index_cast %mul3A_15 : i32 to index
      %get3A_1188 = tpu.vector_load %arg5[%get3A_1186, %get3A_1187] {strides = array<i32>} : memref<200x512xi32, #tpu.memory_space<vmem>>, vector<16xi32>,
      %pack3A_1189 = tpu.pack_subelements %get3A_1176, %get3A_1180 {pack_format = #tpu.pack_format<interleaved>, positions = array<i32: 0, 1>} : vector<16xi32>, vector<16xi32> -> vector<32xi16>
      %pack3A_1190 = tpu.pack_subelements %get3A_1184, %get3A_1188 {pack_format = #tpu.pack_format<interleaved>, positions = array<i32: 0, 1>} : vector<16xi32>, vector<16xi32> -> vector<32xi16>
      %pack3A_1191 = tpu.pack_subelements %pack3A_1189, %pack3A_1190 {pack_format = #tpu.pack_format<interleaved>, positions = array<i32: 0, 1>} : vector<32xi16>, vector<32xi16> -> vector<64xi8>
      %bitcast3A_1192 = vector.bitcast %pack3A_1191 : vector<64xi8> to vector<16xi32>
      %and3A_1193 = arith.andi %bitcast3A_1192, %broadcast_in_dim3A_3 : vector<16xi32>
      %shift_right_arithmetic3A_1194 = arith.constant 1 : i32
      %shift_right_arithmetic3A_1195 = vector.broadcast %shift_right_arithmetic3A_1194 : i32 to vector<16xi32>
      %shift_right_arithmetic3A_1196 = arith.shrsi %bitcast3A_1192, %shift_right_arithmetic3A_1195 : vector<16xi32>
      %and3A_1197 = arith.andi %shift_right_arithmetic3A_1196, %broadcast_in_dim3A_3 : vector<16xi32>
      %add3A_1198 = arith.addi %add3A_1169, %and3A_1193 : vector<16xi32>
      %add3A_1199 = arith.addi %add3A_1170, %and3A_1197 : vector<16xi32>
      %and3A_1200 = arith.andi %and3A_1193, %and3A_1197 : vector<16xi32>
      %add3A_1201 = arith.addi %add3A_1172, %and3A_1200 : vector<16xi32>
      %get3A_1202 = arith.constant 164 : i32
      %get3A_1203 = arith.index_cast %get3A_1202 : i32 to index
      %get3A_1204 = arith.index_cast %mul3A_15 : i32 to index
      %get3A_1205 = tpu.vector_load %arg5[%get3A_1203, %get3A_1204] {strides = array<i32>} : memref<200x512xi32, #tpu.memory_space<vmem>>, vector<16xi32>,
      %get3A_1206 = arith.constant 165 : i32
      %get3A_1207 = arith.index_cast %get3A_1206 : i32 to index
      %get3A_1208 = arith.index_cast %mul3A_15 : i32 to index
      %get3A_1209 = tpu.vector_load %arg5[%get3A_1207, %get3A_1208] {strides = array<i32>} : memref<200x512xi32, #tpu.memory_space<vmem>>, vector<16xi32>,
      %get3A_1210 = arith.constant 166 : i32
      %get3A_1211 = arith.index_cast %get3A_1210 : i32 to index
      %get3A_1212 = arith.index_cast %mul3A_15 : i32 to index
      %get3A_1213 = tpu.vector_load %arg5[%get3A_1211, %get3A_1212] {strides = array<i32>} : memref<200x512xi32, #tpu.memory_space<vmem>>, vector<16xi32>,
      %get3A_1214 = arith.constant 167 : i32
      %get3A_1215 = arith.index_cast %get3A_1214 : i32 to index
      %get3A_1216 = arith.index_cast %mul3A_15 : i32 to index
      %get3A_1217 = tpu.vector_load %arg5[%get3A_1215, %get3A_1216] {strides = array<i32>} : memref<200x512xi32, #tpu.memory_space<vmem>>, vector<16xi32>,
      %pack3A_1218 = tpu.pack_subelements %get3A_1205, %get3A_1209 {pack_format = #tpu.pack_format<interleaved>, positions = array<i32: 0, 1>} : vector<16xi32>, vector<16xi32> -> vector<32xi16>
      %pack3A_1219 = tpu.pack_subelements %get3A_1213, %get3A_1217 {pack_format = #tpu.pack_format<interleaved>, positions = array<i32: 0, 1>} : vector<16xi32>, vector<16xi32> -> vector<32xi16>
      %pack3A_1220 = tpu.pack_subelements %pack3A_1218, %pack3A_1219 {pack_format = #tpu.pack_format<interleaved>, positions = array<i32: 0, 1>} : vector<32xi16>, vector<32xi16> -> vector<64xi8>
      %bitcast3A_1221 = vector.bitcast %pack3A_1220 : vector<64xi8> to vector<16xi32>
      %and3A_1222 = arith.andi %bitcast3A_1221, %broadcast_in_dim3A_3 : vector<16xi32>
      %shift_right_arithmetic3A_1223 = arith.constant 1 : i32
      %shift_right_arithmetic3A_1224 = vector.broadcast %shift_right_arithmetic3A_1223 : i32 to vector<16xi32>
      %shift_right_arithmetic3A_1225 = arith.shrsi %bitcast3A_1221, %shift_right_arithmetic3A_1224 : vector<16xi32>
      %and3A_1226 = arith.andi %shift_right_arithmetic3A_1225, %broadcast_in_dim3A_3 : vector<16xi32>
      %add3A_1227 = arith.addi %add3A_1198, %and3A_1222 : vector<16xi32>
      %add3A_1228 = arith.addi %add3A_1199, %and3A_1226 : vector<16xi32>
      %and3A_1229 = arith.andi %and3A_1222, %and3A_1226 : vector<16xi32>
      %add3A_1230 = arith.addi %add3A_1201, %and3A_1229 : vector<16xi32>
      %get3A_1231 = arith.constant 168 : i32
      %get3A_1232 = arith.index_cast %get3A_1231 : i32 to index
      %get3A_1233 = arith.index_cast %mul3A_15 : i32 to index
      %get3A_1234 = tpu.vector_load %arg5[%get3A_1232, %get3A_1233] {strides = array<i32>} : memref<200x512xi32, #tpu.memory_space<vmem>>, vector<16xi32>,
      %get3A_1235 = arith.constant 169 : i32
      %get3A_1236 = arith.index_cast %get3A_1235 : i32 to index
      %get3A_1237 = arith.index_cast %mul3A_15 : i32 to index
      %get3A_1238 = tpu.vector_load %arg5[%get3A_1236, %get3A_1237] {strides = array<i32>} : memref<200x512xi32, #tpu.memory_space<vmem>>, vector<16xi32>,
      %get3A_1239 = arith.constant 170 : i32
      %get3A_1240 = arith.index_cast %get3A_1239 : i32 to index
      %get3A_1241 = arith.index_cast %mul3A_15 : i32 to index
      %get3A_1242 = tpu.vector_load %arg5[%get3A_1240, %get3A_1241] {strides = array<i32>} : memref<200x512xi32, #tpu.memory_space<vmem>>, vector<16xi32>,
      %get3A_1243 = arith.constant 171 : i32
      %get3A_1244 = arith.index_cast %get3A_1243 : i32 to index
      %get3A_1245 = arith.index_cast %mul3A_15 : i32 to index
      %get3A_1246 = tpu.vector_load %arg5[%get3A_1244, %get3A_1245] {strides = array<i32>} : memref<200x512xi32, #tpu.memory_space<vmem>>, vector<16xi32>,
      %pack3A_1247 = tpu.pack_subelements %get3A_1234, %get3A_1238 {pack_format = #tpu.pack_format<interleaved>, positions = array<i32: 0, 1>} : vector<16xi32>, vector<16xi32> -> vector<32xi16>
      %pack3A_1248 = tpu.pack_subelements %get3A_1242, %get3A_1246 {pack_format = #tpu.pack_format<interleaved>, positions = array<i32: 0, 1>} : vector<16xi32>, vector<16xi32> -> vector<32xi16>
      %pack3A_1249 = tpu.pack_subelements %pack3A_1247, %pack3A_1248 {pack_format = #tpu.pack_format<interleaved>, positions = array<i32: 0, 1>} : vector<32xi16>, vector<32xi16> -> vector<64xi8>
      %bitcast3A_1250 = vector.bitcast %pack3A_1249 : vector<64xi8> to vector<16xi32>
      %and3A_1251 = arith.andi %bitcast3A_1250, %broadcast_in_dim3A_3 : vector<16xi32>
      %shift_right_arithmetic3A_1252 = arith.constant 1 : i32
      %shift_right_arithmetic3A_1253 = vector.broadcast %shift_right_arithmetic3A_1252 : i32 to vector<16xi32>
      %shift_right_arithmetic3A_1254 = arith.shrsi %bitcast3A_1250, %shift_right_arithmetic3A_1253 : vector<16xi32>
      %and3A_1255 = arith.andi %shift_right_arithmetic3A_1254, %broadcast_in_dim3A_3 : vector<16xi32>
      %add3A_1256 = arith.addi %add3A_1227, %and3A_1251 : vector<16xi32>
      %add3A_1257 = arith.addi %add3A_1228, %and3A_1255 : vector<16xi32>
      %and3A_1258 = arith.andi %and3A_1251, %and3A_1255 : vector<16xi32>
      %add3A_1259 = arith.addi %add3A_1230, %and3A_1258 : vector<16xi32>
      %get3A_1260 = arith.constant 172 : i32
      %get3A_1261 = arith.index_cast %get3A_1260 : i32 to index
      %get3A_1262 = arith.index_cast %mul3A_15 : i32 to index
      %get3A_1263 = tpu.vector_load %arg5[%get3A_1261, %get3A_1262] {strides = array<i32>} : memref<200x512xi32, #tpu.memory_space<vmem>>, vector<16xi32>,
      %get3A_1264 = arith.constant 173 : i32
      %get3A_1265 = arith.index_cast %get3A_1264 : i32 to index
      %get3A_1266 = arith.index_cast %mul3A_15 : i32 to index
      %get3A_1267 = tpu.vector_load %arg5[%get3A_1265, %get3A_1266] {strides = array<i32>} : memref<200x512xi32, #tpu.memory_space<vmem>>, vector<16xi32>,
      %get3A_1268 = arith.constant 174 : i32
      %get3A_1269 = arith.index_cast %get3A_1268 : i32 to index
      %get3A_1270 = arith.index_cast %mul3A_15 : i32 to index
      %get3A_1271 = tpu.vector_load %arg5[%get3A_1269, %get3A_1270] {strides = array<i32>} : memref<200x512xi32, #tpu.memory_space<vmem>>, vector<16xi32>,
      %get3A_1272 = arith.constant 175 : i32
      %get3A_1273 = arith.index_cast %get3A_1272 : i32 to index
      %get3A_1274 = arith.index_cast %mul3A_15 : i32 to index
      %get3A_1275 = tpu.vector_load %arg5[%get3A_1273, %get3A_1274] {strides = array<i32>} : memref<200x512xi32, #tpu.memory_space<vmem>>, vector<16xi32>,
      %pack3A_1276 = tpu.pack_subelements %get3A_1263, %get3A_1267 {pack_format = #tpu.pack_format<interleaved>, positions = array<i32: 0, 1>} : vector<16xi32>, vector<16xi32> -> vector<32xi16>
      %pack3A_1277 = tpu.pack_subelements %get3A_1271, %get3A_1275 {pack_format = #tpu.pack_format<interleaved>, positions = array<i32: 0, 1>} : vector<16xi32>, vector<16xi32> -> vector<32xi16>
      %pack3A_1278 = tpu.pack_subelements %pack3A_1276, %pack3A_1277 {pack_format = #tpu.pack_format<interleaved>, positions = array<i32: 0, 1>} : vector<32xi16>, vector<32xi16> -> vector<64xi8>
      %bitcast3A_1279 = vector.bitcast %pack3A_1278 : vector<64xi8> to vector<16xi32>
      %and3A_1280 = arith.andi %bitcast3A_1279, %broadcast_in_dim3A_3 : vector<16xi32>
      %shift_right_arithmetic3A_1281 = arith.constant 1 : i32
      %shift_right_arithmetic3A_1282 = vector.broadcast %shift_right_arithmetic3A_1281 : i32 to vector<16xi32>
      %shift_right_arithmetic3A_1283 = arith.shrsi %bitcast3A_1279, %shift_right_arithmetic3A_1282 : vector<16xi32>
      %and3A_1284 = arith.andi %shift_right_arithmetic3A_1283, %broadcast_in_dim3A_3 : vector<16xi32>
      %add3A_1285 = arith.addi %add3A_1256, %and3A_1280 : vector<16xi32>
      %add3A_1286 = arith.addi %add3A_1257, %and3A_1284 : vector<16xi32>
      %and3A_1287 = arith.andi %and3A_1280, %and3A_1284 : vector<16xi32>
      %add3A_1288 = arith.addi %add3A_1259, %and3A_1287 : vector<16xi32>
      %get3A_1289 = arith.constant 176 : i32
      %get3A_1290 = arith.index_cast %get3A_1289 : i32 to index
      %get3A_1291 = arith.index_cast %mul3A_15 : i32 to index
      %get3A_1292 = tpu.vector_load %arg5[%get3A_1290, %get3A_1291] {strides = array<i32>} : memref<200x512xi32, #tpu.memory_space<vmem>>, vector<16xi32>,
      %get3A_1293 = arith.constant 177 : i32
      %get3A_1294 = arith.index_cast %get3A_1293 : i32 to index
      %get3A_1295 = arith.index_cast %mul3A_15 : i32 to index
      %get3A_1296 = tpu.vector_load %arg5[%get3A_1294, %get3A_1295] {strides = array<i32>} : memref<200x512xi32, #tpu.memory_space<vmem>>, vector<16xi32>,
      %get3A_1297 = arith.constant 178 : i32
      %get3A_1298 = arith.index_cast %get3A_1297 : i32 to index
      %get3A_1299 = arith.index_cast %mul3A_15 : i32 to index
      %get3A_1300 = tpu.vector_load %arg5[%get3A_1298, %get3A_1299] {strides = array<i32>} : memref<200x512xi32, #tpu.memory_space<vmem>>, vector<16xi32>,
      %get3A_1301 = arith.constant 179 : i32
      %get3A_1302 = arith.index_cast %get3A_1301 : i32 to index
      %get3A_1303 = arith.index_cast %mul3A_15 : i32 to index
      %get3A_1304 = tpu.vector_load %arg5[%get3A_1302, %get3A_1303] {strides = array<i32>} : memref<200x512xi32, #tpu.memory_space<vmem>>, vector<16xi32>,
      %pack3A_1305 = tpu.pack_subelements %get3A_1292, %get3A_1296 {pack_format = #tpu.pack_format<interleaved>, positions = array<i32: 0, 1>} : vector<16xi32>, vector<16xi32> -> vector<32xi16>
      %pack3A_1306 = tpu.pack_subelements %get3A_1300, %get3A_1304 {pack_format = #tpu.pack_format<interleaved>, positions = array<i32: 0, 1>} : vector<16xi32>, vector<16xi32> -> vector<32xi16>
      %pack3A_1307 = tpu.pack_subelements %pack3A_1305, %pack3A_1306 {pack_format = #tpu.pack_format<interleaved>, positions = array<i32: 0, 1>} : vector<32xi16>, vector<32xi16> -> vector<64xi8>
      %bitcast3A_1308 = vector.bitcast %pack3A_1307 : vector<64xi8> to vector<16xi32>
      %and3A_1309 = arith.andi %bitcast3A_1308, %broadcast_in_dim3A_3 : vector<16xi32>
      %shift_right_arithmetic3A_1310 = arith.constant 1 : i32
      %shift_right_arithmetic3A_1311 = vector.broadcast %shift_right_arithmetic3A_1310 : i32 to vector<16xi32>
      %shift_right_arithmetic3A_1312 = arith.shrsi %bitcast3A_1308, %shift_right_arithmetic3A_1311 : vector<16xi32>
      %and3A_1313 = arith.andi %shift_right_arithmetic3A_1312, %broadcast_in_dim3A_3 : vector<16xi32>
      %add3A_1314 = arith.addi %add3A_1285, %and3A_1309 : vector<16xi32>
      %add3A_1315 = arith.addi %add3A_1286, %and3A_1313 : vector<16xi32>
      %and3A_1316 = arith.andi %and3A_1309, %and3A_1313 : vector<16xi32>
      %add3A_1317 = arith.addi %add3A_1288, %and3A_1316 : vector<16xi32>
      %get3A_1318 = arith.constant 180 : i32
      %get3A_1319 = arith.index_cast %get3A_1318 : i32 to index
      %get3A_1320 = arith.index_cast %mul3A_15 : i32 to index
      %get3A_1321 = tpu.vector_load %arg5[%get3A_1319, %get3A_1320] {strides = array<i32>} : memref<200x512xi32, #tpu.memory_space<vmem>>, vector<16xi32>,
      %get3A_1322 = arith.constant 181 : i32
      %get3A_1323 = arith.index_cast %get3A_1322 : i32 to index
      %get3A_1324 = arith.index_cast %mul3A_15 : i32 to index
      %get3A_1325 = tpu.vector_load %arg5[%get3A_1323, %get3A_1324] {strides = array<i32>} : memref<200x512xi32, #tpu.memory_space<vmem>>, vector<16xi32>,
      %get3A_1326 = arith.constant 182 : i32
      %get3A_1327 = arith.index_cast %get3A_1326 : i32 to index
      %get3A_1328 = arith.index_cast %mul3A_15 : i32 to index
      %get3A_1329 = tpu.vector_load %arg5[%get3A_1327, %get3A_1328] {strides = array<i32>} : memref<200x512xi32, #tpu.memory_space<vmem>>, vector<16xi32>,
      %get3A_1330 = arith.constant 183 : i32
      %get3A_1331 = arith.index_cast %get3A_1330 : i32 to index
      %get3A_1332 = arith.index_cast %mul3A_15 : i32 to index
      %get3A_1333 = tpu.vector_load %arg5[%get3A_1331, %get3A_1332] {strides = array<i32>} : memref<200x512xi32, #tpu.memory_space<vmem>>, vector<16xi32>,
      %pack3A_1334 = tpu.pack_subelements %get3A_1321, %get3A_1325 {pack_format = #tpu.pack_format<interleaved>, positions = array<i32: 0, 1>} : vector<16xi32>, vector<16xi32> -> vector<32xi16>
      %pack3A_1335 = tpu.pack_subelements %get3A_1329, %get3A_1333 {pack_format = #tpu.pack_format<interleaved>, positions = array<i32: 0, 1>} : vector<16xi32>, vector<16xi32> -> vector<32xi16>
      %pack3A_1336 = tpu.pack_subelements %pack3A_1334, %pack3A_1335 {pack_format = #tpu.pack_format<interleaved>, positions = array<i32: 0, 1>} : vector<32xi16>, vector<32xi16> -> vector<64xi8>
      %bitcast3A_1337 = vector.bitcast %pack3A_1336 : vector<64xi8> to vector<16xi32>
      %and3A_1338 = arith.andi %bitcast3A_1337, %broadcast_in_dim3A_3 : vector<16xi32>
      %shift_right_arithmetic3A_1339 = arith.constant 1 : i32
      %shift_right_arithmetic3A_1340 = vector.broadcast %shift_right_arithmetic3A_1339 : i32 to vector<16xi32>
      %shift_right_arithmetic3A_1341 = arith.shrsi %bitcast3A_1337, %shift_right_arithmetic3A_1340 : vector<16xi32>
      %and3A_1342 = arith.andi %shift_right_arithmetic3A_1341, %broadcast_in_dim3A_3 : vector<16xi32>
      %add3A_1343 = arith.addi %add3A_1314, %and3A_1338 : vector<16xi32>
      %add3A_1344 = arith.addi %add3A_1315, %and3A_1342 : vector<16xi32>
      %and3A_1345 = arith.andi %and3A_1338, %and3A_1342 : vector<16xi32>
      %add3A_1346 = arith.addi %add3A_1317, %and3A_1345 : vector<16xi32>
      %get3A_1347 = arith.constant 184 : i32
      %get3A_1348 = arith.index_cast %get3A_1347 : i32 to index
      %get3A_1349 = arith.index_cast %mul3A_15 : i32 to index
      %get3A_1350 = tpu.vector_load %arg5[%get3A_1348, %get3A_1349] {strides = array<i32>} : memref<200x512xi32, #tpu.memory_space<vmem>>, vector<16xi32>,
      %get3A_1351 = arith.constant 185 : i32
      %get3A_1352 = arith.index_cast %get3A_1351 : i32 to index
      %get3A_1353 = arith.index_cast %mul3A_15 : i32 to index
      %get3A_1354 = tpu.vector_load %arg5[%get3A_1352, %get3A_1353] {strides = array<i32>} : memref<200x512xi32, #tpu.memory_space<vmem>>, vector<16xi32>,
      %get3A_1355 = arith.constant 186 : i32
      %get3A_1356 = arith.index_cast %get3A_1355 : i32 to index
      %get3A_1357 = arith.index_cast %mul3A_15 : i32 to index
      %get3A_1358 = tpu.vector_load %arg5[%get3A_1356, %get3A_1357] {strides = array<i32>} : memref<200x512xi32, #tpu.memory_space<vmem>>, vector<16xi32>,
      %get3A_1359 = arith.constant 187 : i32
      %get3A_1360 = arith.index_cast %get3A_1359 : i32 to index
      %get3A_1361 = arith.index_cast %mul3A_15 : i32 to index
      %get3A_1362 = tpu.vector_load %arg5[%get3A_1360, %get3A_1361] {strides = array<i32>} : memref<200x512xi32, #tpu.memory_space<vmem>>, vector<16xi32>,
      %pack3A_1363 = tpu.pack_subelements %get3A_1350, %get3A_1354 {pack_format = #tpu.pack_format<interleaved>, positions = array<i32: 0, 1>} : vector<16xi32>, vector<16xi32> -> vector<32xi16>
      %pack3A_1364 = tpu.pack_subelements %get3A_1358, %get3A_1362 {pack_format = #tpu.pack_format<interleaved>, positions = array<i32: 0, 1>} : vector<16xi32>, vector<16xi32> -> vector<32xi16>
      %pack3A_1365 = tpu.pack_subelements %pack3A_1363, %pack3A_1364 {pack_format = #tpu.pack_format<interleaved>, positions = array<i32: 0, 1>} : vector<32xi16>, vector<32xi16> -> vector<64xi8>
      %bitcast3A_1366 = vector.bitcast %pack3A_1365 : vector<64xi8> to vector<16xi32>
      %and3A_1367 = arith.andi %bitcast3A_1366, %broadcast_in_dim3A_3 : vector<16xi32>
      %shift_right_arithmetic3A_1368 = arith.constant 1 : i32
      %shift_right_arithmetic3A_1369 = vector.broadcast %shift_right_arithmetic3A_1368 : i32 to vector<16xi32>
      %shift_right_arithmetic3A_1370 = arith.shrsi %bitcast3A_1366, %shift_right_arithmetic3A_1369 : vector<16xi32>
      %and3A_1371 = arith.andi %shift_right_arithmetic3A_1370, %broadcast_in_dim3A_3 : vector<16xi32>
      %add3A_1372 = arith.addi %add3A_1343, %and3A_1367 : vector<16xi32>
      %add3A_1373 = arith.addi %add3A_1344, %and3A_1371 : vector<16xi32>
      %and3A_1374 = arith.andi %and3A_1367, %and3A_1371 : vector<16xi32>
      %add3A_1375 = arith.addi %add3A_1346, %and3A_1374 : vector<16xi32>
      %get3A_1376 = arith.constant 188 : i32
      %get3A_1377 = arith.index_cast %get3A_1376 : i32 to index
      %get3A_1378 = arith.index_cast %mul3A_15 : i32 to index
      %get3A_1379 = tpu.vector_load %arg5[%get3A_1377, %get3A_1378] {strides = array<i32>} : memref<200x512xi32, #tpu.memory_space<vmem>>, vector<16xi32>,
      %get3A_1380 = arith.constant 189 : i32
      %get3A_1381 = arith.index_cast %get3A_1380 : i32 to index
      %get3A_1382 = arith.index_cast %mul3A_15 : i32 to index
      %get3A_1383 = tpu.vector_load %arg5[%get3A_1381, %get3A_1382] {strides = array<i32>} : memref<200x512xi32, #tpu.memory_space<vmem>>, vector<16xi32>,
      %get3A_1384 = arith.constant 190 : i32
      %get3A_1385 = arith.index_cast %get3A_1384 : i32 to index
      %get3A_1386 = arith.index_cast %mul3A_15 : i32 to index
      %get3A_1387 = tpu.vector_load %arg5[%get3A_1385, %get3A_1386] {strides = array<i32>} : memref<200x512xi32, #tpu.memory_space<vmem>>, vector<16xi32>,
      %get3A_1388 = arith.constant 191 : i32
      %get3A_1389 = arith.index_cast %get3A_1388 : i32 to index
      %get3A_1390 = arith.index_cast %mul3A_15 : i32 to index
      %get3A_1391 = tpu.vector_load %arg5[%get3A_1389, %get3A_1390] {strides = array<i32>} : memref<200x512xi32, #tpu.memory_space<vmem>>, vector<16xi32>,
      %pack3A_1392 = tpu.pack_subelements %get3A_1379, %get3A_1383 {pack_format = #tpu.pack_format<interleaved>, positions = array<i32: 0, 1>} : vector<16xi32>, vector<16xi32> -> vector<32xi16>
      %pack3A_1393 = tpu.pack_subelements %get3A_1387, %get3A_1391 {pack_format = #tpu.pack_format<interleaved>, positions = array<i32: 0, 1>} : vector<16xi32>, vector<16xi32> -> vector<32xi16>
      %pack3A_1394 = tpu.pack_subelements %pack3A_1392, %pack3A_1393 {pack_format = #tpu.pack_format<interleaved>, positions = array<i32: 0, 1>} : vector<32xi16>, vector<32xi16> -> vector<64xi8>
      %bitcast3A_1395 = vector.bitcast %pack3A_1394 : vector<64xi8> to vector<16xi32>
      %and3A_1396 = arith.andi %bitcast3A_1395, %broadcast_in_dim3A_3 : vector<16xi32>
      %shift_right_arithmetic3A_1397 = arith.constant 1 : i32
      %shift_right_arithmetic3A_1398 = vector.broadcast %shift_right_arithmetic3A_1397 : i32 to vector<16xi32>
      %shift_right_arithmetic3A_1399 = arith.shrsi %bitcast3A_1395, %shift_right_arithmetic3A_1398 : vector<16xi32>
      %and3A_1400 = arith.andi %shift_right_arithmetic3A_1399, %broadcast_in_dim3A_3 : vector<16xi32>
      %add3A_1401 = arith.addi %add3A_1372, %and3A_1396 : vector<16xi32>
      %add3A_1402 = arith.addi %add3A_1373, %and3A_1400 : vector<16xi32>
      %and3A_1403 = arith.andi %and3A_1396, %and3A_1400 : vector<16xi32>
      %add3A_1404 = arith.addi %add3A_1375, %and3A_1403 : vector<16xi32>
      %get3A_1405 = arith.constant 192 : i32
      %get3A_1406 = arith.index_cast %get3A_1405 : i32 to index
      %get3A_1407 = arith.index_cast %mul3A_15 : i32 to index
      %get3A_1408 = tpu.vector_load %arg5[%get3A_1406, %get3A_1407] {strides = array<i32>} : memref<200x512xi32, #tpu.memory_space<vmem>>, vector<16xi32>,
      %get3A_1409 = arith.constant 193 : i32
      %get3A_1410 = arith.index_cast %get3A_1409 : i32 to index
      %get3A_1411 = arith.index_cast %mul3A_15 : i32 to index
      %get3A_1412 = tpu.vector_load %arg5[%get3A_1410, %get3A_1411] {strides = array<i32>} : memref<200x512xi32, #tpu.memory_space<vmem>>, vector<16xi32>,
      %get3A_1413 = arith.constant 194 : i32
      %get3A_1414 = arith.index_cast %get3A_1413 : i32 to index
      %get3A_1415 = arith.index_cast %mul3A_15 : i32 to index
      %get3A_1416 = tpu.vector_load %arg5[%get3A_1414, %get3A_1415] {strides = array<i32>} : memref<200x512xi32, #tpu.memory_space<vmem>>, vector<16xi32>,
      %get3A_1417 = arith.constant 195 : i32
      %get3A_1418 = arith.index_cast %get3A_1417 : i32 to index
      %get3A_1419 = arith.index_cast %mul3A_15 : i32 to index
      %get3A_1420 = tpu.vector_load %arg5[%get3A_1418, %get3A_1419] {strides = array<i32>} : memref<200x512xi32, #tpu.memory_space<vmem>>, vector<16xi32>,
      %pack3A_1421 = tpu.pack_subelements %get3A_1408, %get3A_1412 {pack_format = #tpu.pack_format<interleaved>, positions = array<i32: 0, 1>} : vector<16xi32>, vector<16xi32> -> vector<32xi16>
      %pack3A_1422 = tpu.pack_subelements %get3A_1416, %get3A_1420 {pack_format = #tpu.pack_format<interleaved>, positions = array<i32: 0, 1>} : vector<16xi32>, vector<16xi32> -> vector<32xi16>
      %pack3A_1423 = tpu.pack_subelements %pack3A_1421, %pack3A_1422 {pack_format = #tpu.pack_format<interleaved>, positions = array<i32: 0, 1>} : vector<32xi16>, vector<32xi16> -> vector<64xi8>
      %bitcast3A_1424 = vector.bitcast %pack3A_1423 : vector<64xi8> to vector<16xi32>
      %and3A_1425 = arith.andi %bitcast3A_1424, %broadcast_in_dim3A_3 : vector<16xi32>
      %shift_right_arithmetic3A_1426 = arith.constant 1 : i32
      %shift_right_arithmetic3A_1427 = vector.broadcast %shift_right_arithmetic3A_1426 : i32 to vector<16xi32>
      %shift_right_arithmetic3A_1428 = arith.shrsi %bitcast3A_1424, %shift_right_arithmetic3A_1427 : vector<16xi32>
      %and3A_1429 = arith.andi %shift_right_arithmetic3A_1428, %broadcast_in_dim3A_3 : vector<16xi32>
      %add3A_1430 = arith.addi %add3A_1401, %and3A_1425 : vector<16xi32>
      %add3A_1431 = arith.addi %add3A_1402, %and3A_1429 : vector<16xi32>
      %and3A_1432 = arith.andi %and3A_1425, %and3A_1429 : vector<16xi32>
      %add3A_1433 = arith.addi %add3A_1404, %and3A_1432 : vector<16xi32>
      %get3A_1434 = arith.constant 196 : i32
      %get3A_1435 = arith.index_cast %get3A_1434 : i32 to index
      %get3A_1436 = arith.index_cast %mul3A_15 : i32 to index
      %get3A_1437 = tpu.vector_load %arg5[%get3A_1435, %get3A_1436] {strides = array<i32>} : memref<200x512xi32, #tpu.memory_space<vmem>>, vector<16xi32>,
      %get3A_1438 = arith.constant 197 : i32
      %get3A_1439 = arith.index_cast %get3A_1438 : i32 to index
      %get3A_1440 = arith.index_cast %mul3A_15 : i32 to index
      %get3A_1441 = tpu.vector_load %arg5[%get3A_1439, %get3A_1440] {strides = array<i32>} : memref<200x512xi32, #tpu.memory_space<vmem>>, vector<16xi32>,
      %get3A_1442 = arith.constant 198 : i32
      %get3A_1443 = arith.index_cast %get3A_1442 : i32 to index
      %get3A_1444 = arith.index_cast %mul3A_15 : i32 to index
      %get3A_1445 = tpu.vector_load %arg5[%get3A_1443, %get3A_1444] {strides = array<i32>} : memref<200x512xi32, #tpu.memory_space<vmem>>, vector<16xi32>,
      %get3A_1446 = arith.constant 199 : i32
      %get3A_1447 = arith.index_cast %get3A_1446 : i32 to index
      %get3A_1448 = arith.index_cast %mul3A_15 : i32 to index
      %get3A_1449 = tpu.vector_load %arg5[%get3A_1447, %get3A_1448] {strides = array<i32>} : memref<200x512xi32, #tpu.memory_space<vmem>>, vector<16xi32>,
      %pack3A_1450 = tpu.pack_subelements %get3A_1437, %get3A_1441 {pack_format = #tpu.pack_format<interleaved>, positions = array<i32: 0, 1>} : vector<16xi32>, vector<16xi32> -> vector<32xi16>
      %pack3A_1451 = tpu.pack_subelements %get3A_1445, %get3A_1449 {pack_format = #tpu.pack_format<interleaved>, positions = array<i32: 0, 1>} : vector<16xi32>, vector<16xi32> -> vector<32xi16>
      %pack3A_1452 = tpu.pack_subelements %pack3A_1450, %pack3A_1451 {pack_format = #tpu.pack_format<interleaved>, positions = array<i32: 0, 1>} : vector<32xi16>, vector<32xi16> -> vector<64xi8>
      %bitcast3A_1453 = vector.bitcast %pack3A_1452 : vector<64xi8> to vector<16xi32>
      %and3A_1454 = arith.andi %bitcast3A_1453, %broadcast_in_dim3A_3 : vector<16xi32>
      %shift_right_arithmetic3A_1455 = arith.constant 1 : i32
      %shift_right_arithmetic3A_1456 = vector.broadcast %shift_right_arithmetic3A_1455 : i32 to vector<16xi32>
      %shift_right_arithmetic3A_1457 = arith.shrsi %bitcast3A_1453, %shift_right_arithmetic3A_1456 : vector<16xi32>
      %and3A_1458 = arith.andi %shift_right_arithmetic3A_1457, %broadcast_in_dim3A_3 : vector<16xi32>
      %add3A_1459 = arith.addi %add3A_1430, %and3A_1454 : vector<16xi32>
      %add3A_1460 = arith.addi %add3A_1431, %and3A_1458 : vector<16xi32>
      %and3A_1461 = arith.andi %and3A_1454, %and3A_1458 : vector<16xi32>
      %add3A_1462 = arith.addi %add3A_1433, %and3A_1461 : vector<16xi32>
      %mul3A_1463 = arith.muli %add3A_1459, %broadcast_in_dim3A_5 : vector<16xi32>
      %shift_right_logical3A = arith.constant 24 : i32
      %shift_right_logical3A_1464 = vector.broadcast %shift_right_logical3A : i32 to vector<16xi32>
      %shift_right_logical3A_1465 = arith.shrui %mul3A_1463, %shift_right_logical3A_1464 : vector<16xi32>
      %convert_element_type3A = arith.sitofp %shift_right_logical3A_1465 : vector<16xi32> to vector<16xf32>
      %mul3A_1466 = arith.muli %add3A_1460, %broadcast_in_dim3A_5 : vector<16xi32>
      %shift_right_logical3A_1467 = arith.constant 24 : i32
      %shift_right_logical3A_1468 = vector.broadcast %shift_right_logical3A_1467 : i32 to vector<16xi32>
      %shift_right_logical3A_1469 = arith.shrui %mul3A_1466, %shift_right_logical3A_1468 : vector<16xi32>
      %convert_element_type3A_1470 = arith.sitofp %shift_right_logical3A_1469 : vector<16xi32> to vector<16xf32>
      %mul3A_1471 = arith.muli %add3A_1462, %broadcast_in_dim3A_5 : vector<16xi32>
      %shift_right_logical3A_1472 = arith.constant 24 : i32
      %shift_right_logical3A_1473 = vector.broadcast %shift_right_logical3A_1472 : i32 to vector<16xi32>
      %shift_right_logical3A_1474 = arith.shrui %mul3A_1471, %shift_right_logical3A_1473 : vector<16xi32>
      %convert_element_type3A_1475 = arith.sitofp %shift_right_logical3A_1474 : vector<16xi32> to vector<16xf32>
      %mul3A_1476 = arith.constant 16 : i32
      %mul3A_1477 = arith.muli %scan3A_12, %mul3A_1476 : i32
      %add3A_1478 = vector.broadcast %mul3A_1477 : i32 to vector<16xi32>
      %add3A_1479 = arith.addi %add3A_1478, %iota3A : vector<16xi32>
      %get3A_1480 = arith.constant 0 : index
      %get3A_1481 = tpu.vector_load %arg6[%get3A_1480] {strides = array<i32>} : memref<192xf32, #tpu.memory_space<vmem>>, vector<16xf32>,
      %get3A_1482 = arith.constant 16 : index
      %get3A_1483 = tpu.vector_load %arg6[%get3A_1482] {strides = array<i32>} : memref<192xf32, #tpu.memory_space<vmem>>, vector<16xf32>,
      %mul3A_1484 = arith.mulf %get3A_1483, %convert_element_type3A : vector<16xf32>
      %add3A_1485 = arith.addf %get3A_1481, %mul3A_1484 : vector<16xf32>
      %get3A_1486 = arith.constant 32 : index
      %get3A_1487 = tpu.vector_load %arg6[%get3A_1486] {strides = array<i32>} : memref<192xf32, #tpu.memory_space<vmem>>, vector<16xf32>,
      %mul3A_1488 = arith.mulf %get3A_1487, %convert_element_type3A_1470 : vector<16xf32>
      %add3A_1489 = arith.addf %add3A_1485, %mul3A_1488 : vector<16xf32>
      %get3A_1490 = arith.constant 48 : index
      %get3A_1491 = tpu.vector_load %arg6[%get3A_1490] {strides = array<i32>} : memref<192xf32, #tpu.memory_space<vmem>>, vector<16xf32>,
      %mul3A_1492 = arith.mulf %get3A_1491, %convert_element_type3A_1475 : vector<16xf32>
      %add3A_1493 = arith.addf %add3A_1489, %mul3A_1492 : vector<16xf32>
      %broadcast_in_dim3A_1494 = arith.constant 0 : i32
      %broadcast_in_dim3A_1495 = vector.broadcast %broadcast_in_dim3A_1494 : i32 to vector<16xi32>
      tpu.vector_store_idx %arg7[%broadcast_in_dim3A_1495, %add3A_1479], %add3A_1493 : memref<3x512xf32, #tpu.memory_space<vmem>>[vector<16xi32>, vector<16xi32>], vector<16xf32>,
      %get3A_1496 = arith.constant 64 : index
      %get3A_1497 = tpu.vector_load %arg6[%get3A_1496] {strides = array<i32>} : memref<192xf32, #tpu.memory_space<vmem>>, vector<16xf32>,
      %get3A_1498 = arith.constant 80 : index
      %get3A_1499 = tpu.vector_load %arg6[%get3A_1498] {strides = array<i32>} : memref<192xf32, #tpu.memory_space<vmem>>, vector<16xf32>,
      %mul3A_1500 = arith.mulf %get3A_1499, %convert_element_type3A : vector<16xf32>
      %add3A_1501 = arith.addf %get3A_1497, %mul3A_1500 : vector<16xf32>
      %get3A_1502 = arith.constant 96 : index
      %get3A_1503 = tpu.vector_load %arg6[%get3A_1502] {strides = array<i32>} : memref<192xf32, #tpu.memory_space<vmem>>, vector<16xf32>,
      %mul3A_1504 = arith.mulf %get3A_1503, %convert_element_type3A_1470 : vector<16xf32>
      %add3A_1505 = arith.addf %add3A_1501, %mul3A_1504 : vector<16xf32>
      %get3A_1506 = arith.constant 112 : index
      %get3A_1507 = tpu.vector_load %arg6[%get3A_1506] {strides = array<i32>} : memref<192xf32, #tpu.memory_space<vmem>>, vector<16xf32>,
      %mul3A_1508 = arith.mulf %get3A_1507, %convert_element_type3A_1475 : vector<16xf32>
      %add3A_1509 = arith.addf %add3A_1505, %mul3A_1508 : vector<16xf32>
      %broadcast_in_dim3A_1510 = arith.constant 1 : i32
      %broadcast_in_dim3A_1511 = vector.broadcast %broadcast_in_dim3A_1510 : i32 to vector<16xi32>
      tpu.vector_store_idx %arg7[%broadcast_in_dim3A_1511, %add3A_1479], %add3A_1509 : memref<3x512xf32, #tpu.memory_space<vmem>>[vector<16xi32>, vector<16xi32>], vector<16xf32>,
      %get3A_1512 = arith.constant 128 : index
      %get3A_1513 = tpu.vector_load %arg6[%get3A_1512] {strides = array<i32>} : memref<192xf32, #tpu.memory_space<vmem>>, vector<16xf32>,
      %get3A_1514 = arith.constant 144 : index
      %get3A_1515 = tpu.vector_load %arg6[%get3A_1514] {strides = array<i32>} : memref<192xf32, #tpu.memory_space<vmem>>, vector<16xf32>,
      %mul3A_1516 = arith.mulf %get3A_1515, %convert_element_type3A : vector<16xf32>
      %add3A_1517 = arith.addf %get3A_1513, %mul3A_1516 : vector<16xf32>
      %get3A_1518 = arith.constant 160 : index
      %get3A_1519 = tpu.vector_load %arg6[%get3A_1518] {strides = array<i32>} : memref<192xf32, #tpu.memory_space<vmem>>, vector<16xf32>,
      %mul3A_1520 = arith.mulf %get3A_1519, %convert_element_type3A_1470 : vector<16xf32>
      %add3A_1521 = arith.addf %add3A_1517, %mul3A_1520 : vector<16xf32>
      %get3A_1522 = arith.constant 176 : index
      %get3A_1523 = tpu.vector_load %arg6[%get3A_1522] {strides = array<i32>} : memref<192xf32, #tpu.memory_space<vmem>>, vector<16xf32>,
      %mul3A_1524 = arith.mulf %get3A_1523, %convert_element_type3A_1475 : vector<16xf32>
      %add3A_1525 = arith.addf %add3A_1521, %mul3A_1524 : vector<16xf32>
      %broadcast_in_dim3A_1526 = arith.constant 2 : i32
      %broadcast_in_dim3A_1527 = vector.broadcast %broadcast_in_dim3A_1526 : i32 to vector<16xi32>
      tpu.vector_store_idx %arg7[%broadcast_in_dim3A_1527, %add3A_1479], %add3A_1525 : memref<3x512xf32, #tpu.memory_space<vmem>>[vector<16xi32>, vector<16xi32>], vector<16xf32>,
      %scan3A_1528 = arith.constant 0 : i32
      scf.yield %scan3A_1528 : i32
    }
    %scan3A_11 = arith.constant 32 : i32
    "tpu.region"() ({
      %run_scoped3A = tpu.sem_alloc : memref<!tpu.dma_semaphore, #tpu.memory_space<semaphore_mem>>
      %dma_start3A = arith.constant 0 : i32
      %dma_start3A_12 = tpu.memref_slice %arg4[%dma_start3A, %mul3A_2] : memref<3x16384xf32, #tpu.memory_space<hbm>> -> memref<3x512xf32, #tpu.memory_space<hbm>>
      %dma_start3A_13 = arith.constant 0 : i32
      %dma_start3A_14 = tpu.memref_slice %arg4[%dma_start3A_13, %mul3A_2] : memref<3x16384xf32, #tpu.memory_space<hbm>> -> memref<3x512xf32, #tpu.memory_space<hbm>>
      tpu.enqueue_dma source(%arg7 : memref<3x512xf32, #tpu.memory_space<vmem>>) target(%dma_start3A_14 : memref<3x512xf32, #tpu.memory_space<hbm>>) target_semaphore(%run_scoped3A : memref<!tpu.dma_semaphore, #tpu.memory_space<semaphore_mem>>)
      %dma_wait3A = arith.constant 0 : i32
      %dma_wait3A_15 = tpu.memref_slice %arg4[%dma_wait3A, %mul3A_2] : memref<3x16384xf32, #tpu.memory_space<hbm>> -> memref<3x512xf32, #tpu.memory_space<hbm>>
      %dma_wait3A_16 = arith.constant 0 : i32
      %dma_wait3A_17 = tpu.memref_slice %arg4[%dma_wait3A_16, %mul3A_2] : memref<3x16384xf32, #tpu.memory_space<hbm>> -> memref<3x512xf32, #tpu.memory_space<hbm>>
      tpu.wait_dma2 semaphore(%run_scoped3A : memref<!tpu.dma_semaphore, #tpu.memory_space<semaphore_mem>>) src(%arg7 : memref<3x512xf32, #tpu.memory_space<vmem>>) dst(%dma_wait3A_17 : memref<3x512xf32, #tpu.memory_space<hbm>>)
      tpu.yield
    }) : () -> ()
    return
  }
}

</mosaic_0001>

<sc_bundles>
// kernel: kernel.3.cloned.1.call-start
scs
__scs_entry_jumppad:
0x0: {  	(pc) =	sbr.rel $0x88, $3  }
0x1: {  	(tag) =	ssettag $0x0;
	lr =	simm.s32 $0x1  }
0x2: {  	[smem:$0x3F9E] =	sst lr;
	_ =	strace $0xD0000000  }
0x3: {  	_ = 	snop  }
0x4: {  	_ = 	snop  }
0x5: {  	_ = 	snop  }
0x6: {  	_ = 	snop  }
0x7: {  	_ = 	snop  }
__scs_overlays_trampoline_lowered:
0x8: {  	[smem:$0x3FAD] =	sst s0  }
0x9: {  	[smem:$0x3FAE] =	sst s1  }
0xa: {  	[smem:$0x3FAF] =	sst s2  }
0xb: {  	[smem:$0x3FB0] =	sst s3  }
0xc: {  	[smem:$0x3FB1] =	sst s4  }
0xd: {  	[smem:$0x3FB2] =	sst s5  }
0xe: {  	[smem:$0x3FB3] =	sst s6  }
0xf: {  	[smem:$0x3FB4] =	sst s7  }
0x10: {  	[smem:$0x3FB5] =	sst s8  }
0x11: {  	[smem:$0x3FB6] =	sst s9;
	s0 =	simm.s32 @!p0 $0x0  }
0x12: {  	s1 =	sld [smem:$0x3F9C];
	s0 =	simm.s32 @p0 $0x1  }
0x13: {  	[smem:$0x3FB7] =	sst s0;
	s0 =	simm.s32 @!p1 $0x0  }
0x14: {  	s2 =	sld [smem:$0x3F9B];
	s0 =	simm.s32 @p1 $0x1  }
0x15: {  	[smem:$0x3FB8] =	sst s0;
	s0 =	simm.s32 @!p2 $0x0  }
0x16: {  	s3 =	sld [smem:$0x3FDB];
	s0 =	simm.s32 @p2 $0x1  }
0x17: {  	s4 =	simm.s32 $0x1BF5;
	[smem:$0x3FBA] =	sst s0  }
0x18: {  	s0 =	sld [smem:$0x3F9D];
	_ =	swait.ge [sflag:s4], $0x0  }
0x19: {  	s7 =	sld [smem:$0x3F9E]  }
0x1a: {  	s8 =	sadd.s32 $0xFFFFE003, lr  }
0x1b: {  	s9 =	sadd.s32 $0xFFFFFEF7, lr;
	s5 =	simm.s32 $0xFFFFFFFF;
	p2 =	slt.u32 s8, $0xFFFFF086  }
0x1c: {  	p1 =	slt.u32 s9, $0xF7A;
	s5 =	simm.s32 @!p2 $0x0  }
0x1d: {  	s5 =	simm.s32 @p1 $0x1;
	p0 =	seq.s32 s7, s2  }
0x1e: {  	s7 =	smul.u32 @!p0 $0xF7A, s2;
	p2 =	seq.s32 @!p0 s5, $0x0  }
0x1f: {  	s9 =	smul.u32 $0xF7A, s1;
	s8 =	simm.s32 @!p0 $0x1BF5;
	p2 =	por !p2, p0  }
0x20: {  	[sflag:s8] =	ssyncset.s32 @!p0 $0xFFFFF086;
	s6 =	sadd.s32 @!p0 s3, s7;
	s7 =	simm.s32 @!p0 $0x108  }
0x21: {  	s3 =	sadd.s32 s3, s9;
	s6 =	sadd.s32 @!p0 $0x88, s6;
	s7 =	simm.s32 @p2 $0x1082  }
0x22: {  	[simem:s7], [sflag:s8] =	dma.local @!p0 [hbm:s6], $0xF7A  }
0x23: {  	s9 =	sor.u32 $0xD0000000, s2;
	s6 =	simm.s32 $0x108;
	_ =	swait.ge @!p0 [sflag:s8], $0x0  }
0x24: {  	s3 =	sadd.s32 $0x88, s3;
	s6 =	simm.s32 @!p1 $0x1082;
	[sflag:s4] =	ssyncset.s32 $0xFFFFF086  }
0x25: {  	[simem:s6], [sflag:s4] =	dma.local [hbm:s3], $0xF7A  }
0x26: {  	[smem:$0x3F9E] =	sst s1;
	(tag) =	ssettag s2;
	_ =	strace s9  }
0x27: {  	s1 =	sld [smem:$0x3FAE]  }
0x28: {  	s2 =	sld [smem:$0x3FAF]  }
0x29: {  	s4 =	sld [smem:$0x3FB1]  }
0x2a: {  	p0 =	seq.s32 s5, $0x0;
	s5 =	sld [smem:$0x3FB2]  }
0x2b: {  	s6 =	sld [smem:$0x3FB3]  }
0x2c: {  	s7 =	sld [smem:$0x3FB4]  }
0x2d: {  	s3 =	simm.s32 $0x108;
	s8 =	sld [smem:$0x3FB5]  }
0x2e: {  	s3 =	simm.s32 @!p0 $0x1082;
	s9 =	sld [smem:$0x3FB6]  }
0x2f: {  	lr =	sadd.s32 s0, s3;
	s0 =	sld [smem:$0x3FAD]  }
0x30: {  	s3 =	sld [smem:$0x3FB0]  }
0x31: {  	[smem:$0x3FB9] =	sst s10  }
0x32: {  	s10 =	sld [smem:$0x3FB7];
	_ =	sdelay $0x3  }
0x33: {  	p0 =	seq.s32 s10, $0x1;
	s10 =	sld [smem:$0x3FB9];
	_ =	sdelay $0x3  }
0x34: {  	[smem:$0x3FB9] =	sst s10  }
0x35: {  	s10 =	sld [smem:$0x3FB8];
	_ =	sdelay $0x3  }
0x36: {  	p1 =	seq.s32 s10, $0x1;
	s10 =	sld [smem:$0x3FB9];
	_ =	sdelay $0x3  }
0x37: {  	[smem:$0x3FB9] =	sst s10  }
0x38: {  	s10 =	sld [smem:$0x3FBA]  }
0x39: {  	_ = 	snop;
	(pc) =	sbr.ind lr, $3  }
0x3a: {  	_ = 	snop  }
0x3b: {  	_ = 	snop  }
0x3c: {  	p2 =	seq.s32 s10, $0x1;
	s10 =	sld [smem:$0x3FB9]  }
0x3d: {  	_ =	shalt  }
0x3e: {  	_ =	shalt  }
0x3f: {  	_ =	shalt  }
0x40: {  	_ =	shalt  }
0x41: {  	_ =	shalt  }
0x42: {  	_ =	shalt  }
0x43: {  	_ =	shalt  }
0x44: {  	_ =	shalt  }
0x45: {  	_ =	shalt  }
0x46: {  	_ =	shalt  }
0x47: {  	_ =	shalt  }
0x48: {  	_ =	shalt  }
0x49: {  	_ =	shalt  }
0x4a: {  	_ =	shalt  }
0x4b: {  	_ =	shalt  }
0x4c: {  	_ =	shalt  }
0x4d: {  	_ =	shalt  }
0x4e: {  	_ =	shalt  }
0x4f: {  	_ =	shalt  }
0x50: {  	_ =	shalt  }
0x51: {  	_ =	shalt  }
0x52: {  	_ =	shalt  }
0x53: {  	_ =	shalt  }
0x54: {  	_ =	shalt  }
0x55: {  	_ =	shalt  }
0x56: {  	_ =	shalt  }
0x57: {  	_ =	shalt  }
0x58: {  	_ =	shalt  }
0x59: {  	_ =	shalt  }
0x5a: {  	_ =	shalt  }
0x5b: {  	_ =	shalt  }
0x5c: {  	_ =	shalt  }
0x5d: {  	_ =	shalt  }
0x5e: {  	_ =	shalt  }
0x5f: {  	_ =	shalt  }
0x60: {  	_ =	shalt  }
0x61: {  	_ =	shalt  }
0x62: {  	_ =	shalt  }
0x63: {  	_ =	shalt  }
0x64: {  	_ =	shalt  }
0x65: {  	_ =	shalt  }
0x66: {  	_ =	shalt  }
0x67: {  	_ =	shalt  }
0x68: {  	_ =	shalt  }
0x69: {  	_ =	shalt  }
0x6a: {  	_ =	shalt  }
0x6b: {  	_ =	shalt  }
0x6c: {  	_ =	shalt  }
0x6d: {  	_ =	shalt  }
0x6e: {  	_ =	shalt  }
0x6f: {  	_ =	shalt  }
0x70: {  	_ =	shalt  }
0x71: {  	_ =	shalt  }
0x72: {  	_ =	shalt  }
0x73: {  	_ =	shalt  }
0x74: {  	_ =	shalt  }
0x75: {  	_ =	shalt  }
0x76: {  	_ =	shalt  }
0x77: {  	_ =	shalt  }
0x78: {  	_ =	shalt  }
0x79: {  	_ =	shalt  }
0x7a: {  	_ =	shalt  }
0x7b: {  	_ =	shalt  }
0x7c: {  	_ =	shalt  }
0x7d: {  	_ =	shalt  }
0x7e: {  	_ =	shalt  }
0x7f: {  	_ =	shalt  }
0x80: {  	_ =	shalt  }
0x81: {  	_ =	shalt  }
0x82: {  	_ =	shalt  }
0x83: {  	_ =	shalt  }
0x84: {  	_ =	shalt  }
0x85: {  	_ =	shalt  }
0x86: {  	_ =	shalt  }
0x87: {  	_ =	shalt  }
.Lfunc_end0:
.L_simem_size_0:
called_computation_lowered:
.L_overlay_start_0:
0x88: {  	s2 =	sld [smem:$0x3FD9]  }
0x89: {  	s3 =	sld [smem:$0x3FFE];
	_ =	sdelay $0x1  }
0x8a: {  	s1 =	srdreg.scid  }
0x8b: {  	s0 =	sand.u32 $0x1, s1  }
0x8c: {  	s17 =	sshll.u32 s0, $0xA;
	s2 =	sadd.s32 s3, s2  }
0x8d: {  	s2 =	sadd.s32 s2, s17  }
0x8e: {  	[smem:$0x3FC5] =	sst s2  }
0x8f: {  	_ = 	snop  }
0x90: {  	s2 =	sld [smem:$0x3FC9]  }
0x91: {  	s18 =	sld [smem:$0x3FD0];
	(tm) =	ssettm $0x1  }
0x92: {  	s4 =	sld [smem:$0x3FFB];
	_ =	sdelay $0x3  }
0x93: {  	_ =	strace s4  }
0x94: {  	s4 =	sld [smem:$0x3FFC];
	_ =	sdelay $0x3  }
0x95: {  	_ =	strace s4  }
0x96: {  	s4 =	sld [smem:$0x3FFD];
	_ =	sdelay $0x3  }
0x97: {  	_ =	strace s4  }
0x98: {  	_ =	strace $0x8FFFFFFF  }
0x99: {  	s19 =	sld [smem:$0x3FDB];
	_ =	sdelay $0x1  }
0x9a: {  	s5 =	simm.s32 $_scs_section_size  }
0x9b: {  	s6 =	simm.s32 $_size__tile_overlayer_lowered;
	s7 =	simm.s32 $_tile_overlayer_lowered  }
0x9c: {  	s22 =	simm.s32 $0x1BFF;
	s21 =	sshll.u32 s7, $0x1;
	s4 =	sadd.s32 s5, s19  }
0x9d: {  	s8 =	simm.s32 $0x0;
	s20 =	sshll.u32 s6, $0x1;
	s6 =	sadd.s32 s21, s4  }
0x9e: {  	[timem:s8], [sflag:s22] =	dma.local [hbm:s6], s20  }
0x9f: {  	_ =	swait.ge [sflag:s22], s20  }
0xa0: {  	s5 =	ssub.s32 $0x0, s20;
	[sflag:s22] =	ssyncset.done $0x0  }
0xa1: {  	[sflag:s22] =	ssyncadd.s32 s5;
	_ =	sdelay $0x1  }
0xa2: {  	s23 =	simm.s32 $0x1B8B  }
0xa3: {  	_ =	swait.ge [sflag:s23], $0x1  }
0xa4: {  	[sflag:s23] =	ssyncset.done $0x0  }
0xa5: {  	s25 =	simm.s32 $0x1B8E;
	s24 =	sld [smem:$0x3FFE];
	[sflag:s23] =	ssyncadd.s32 $0xFFFFFFFF  }
0xa6: {  	s26 =	simm.s32 $execute0_lowered;
	[smem:$0x3FD2] =	sst s25  }
0xa7: {  	s6 =	sshll.u32 s26, $0x1;
	_ =	strace $0x80000046;
	[dreg:$0x1] =	wrdreg $0xFFFFFFFF  }
0xa8: {  	s28 =	simm.s32 $_size_execute0_lowered;
	s4 =	sadd.s32 s4, s6;
	[dreg:$0x0] =	wrdreg $0x0  }
0xa9: {  	s6 =	sshll.u32 s28, $0x1;
	[dreg:$0x2] =	wrdreg s4  }
0xaa: {  	[dreg:$0x3] =	wrdreg s6  }
0xab: {  	[dreg:$0x4] =	wrdreg $0xC0  }
0xac: {  	_ =	task [dreg:s8], $0x5FFFF  }
0xad: {  	[dreg:$0x1] =	wrdreg $0xFFFFFFFF  }
0xae: {  	[dreg:$0x0] =	wrdreg $0x60  }
0xaf: {  	[dreg:$0x2] =	wrdreg s2  }
0xb0: {  	[dreg:$0x3] =	wrdreg s24  }
0xb1: {  	[dreg:$0x4] =	wrdreg s18  }
0xb2: {  	[dreg:$0x5] =	wrdreg $0x9  }
0xb3: {  	_ =	task.clear_ibuf [dreg:s8], $0x6FFFF;
	_ =	strace $0x90000046  }
0xb4: {  	s29 =	simm.s32 $0x9;
	_ =	strace $0x80000048  }
0xb5: {  	_ =	swait.ge [sflag:s29], $0x1  }
0xb6: {  	[sflag:s29] =	ssyncadd.s32 $0xFFFFFFFF  }
0xb7: {  	_ =	strace $0x90000048  }
0xb8: {  	_ =	sfence  }
0xb9: {  	s30 =	sld [smem:$0x0];
	_ =	sdelay $0x2  }
0xba: {  	s31 =	sshll.u32 s1, $0xD;
	s1 =	sshrl.u32 s1, $0x2  }
0xbb: {  	s3 =	sand.u32 $0x4000, s31;
	s1 =	sadd.s32 s1, s30  }
0xbc: {  	s0 =	sor.u32 s3, s0;
	s1 =	sshll.u32 s1, $0x11  }
0xbd: {  	s0 =	sor.u32 s1, s0  }
0xbe: {  	s0 =	sadd.s32 $0x8F2B, s0  }
0xbf: {  	[sflag:s0] =	ssyncadd.remote.s32 $0x1  }
0xc0: {  	_ =	sfence.sel $0xFFFF  }
0xc1: {  	[dreg:$0x0] =	wrdreg $0xFFFFFFFF;
	(pc) =	sbr.abs _section_cstart, $3  }
0xc2: {  	[dreg:$0x1] =	wrdreg $0xFFFFFFFF  }
0xc3: {  	_ =	task.clear_ibuf [dreg:s8], $0x2FFFF;
	_ =	strace $0x9FFFFFFF  }
0xc4: {  	(tm) =	ssettm $0x7FFFFFFF  }
0xc5: {  	_ =	shalt  }
tec
execute0_lowered:
.L_overlay_start_1:
0x0: {  	(tag) =	ssettag $0x1  }
0x1: {  	s4 =	rddreg [dreg:$0x0]  }
0x2: {  	s3 =	rddreg [dreg:$0x1]  }
0x3: {  	s5 =	rddreg [dreg:$0x2]  }
0x4: {  	s0 =	rddreg [dreg:$0x3];
	s2 =	simm.s32 $0x0;
	s6 =	srdreg.scid  }
0x5: {  	s1 =	stileid.u32;
	s10 =	simm.s32 $0x19000;
	s11 =	simm.s32 $0x19100  }
0x6: {  	s12 =	simm.s32 $0x0;
	[smem:$0x7FF] =	sst s2;
	s6 =	sand.u32 $0x1, s6  }
0x7: {  	s8 =	sshll.u32 s1, $0xA;
	s7 =	ssub.s32 $0x2, s6;
	s6 =	sshll.u32 s6, $0x9  }
0x8: {  	s3 =	sadd.s32 $0x800, s3;
	s9 =	sshrl.u32 s7, $0x1;
	s6 =	sor.u32 s6, s8  }
0x9: {  	_ =	strace $0x80000047;
	s7 =	ssub.s32 s7, s9;
	s8 =	sshrl.u32 s6, $0x1  }
0xa: {  	s4 =	sadd.s32 s4, s6;
	s9 =	simm.s32 $0x1;
	s5 =	sadd.s32 s5, s8  }
0xb: {  	v0 =	vlaneseq.u32;
	s6 =	smax.u32 s7, $0x1;
	s7 =	simm.s32 $0x1000;
	s8 =	simm.s32 $0x20000  }
.LBB2_1:
0xc: {  	[tilespmem:s2], [sflag:$0x1] =	stream.strided.gather [hbm4b:s4+s7], $0x19000, s8, s7, $0x38;
	[tilespmem:$0x19900] =	vst v63  }
0xd: {  	_ =	swait.ge [sflag:s9], $0x19000  }
0xe: {  	[sflag:s9] =	ssyncset.done $0x0  }
0xf: {  	[sflag:s9] =	ssyncadd.s32 $0xFFFE7000  }
0x10: {  	[tilespmem:s10], [sflag:$0x1] =	stream.linear.gather [hbm4b:s3+s2], $0x100, $0x38;
	[tilespmem:$0x19900] =	vst v63  }
0x11: {  	_ =	swait.ge [sflag:s9], $0x100  }
0x12: {  	[sflag:s9] =	ssyncset.done $0x0  }
0x13: {  	s13 =	simm.s32 $0x0;
	s14 =	simm.s32 $0x0;
	[sflag:s9] =	ssyncadd.s32 $0xFFFFFF00  }
.LBB2_2:
0x14: {  	s15 =	sand.u32 $0x70, s14;
	s16 =	sand.u32 $0xC00, s13  }
0x15: {  	s15 =	sor.u32 s15, s16  }
0x16: {  	v1 =	vld [tilespmem:s15+$0x0]  }
0x17: {  	v2 =	vld [tilespmem:s15+$0x80]  }
0x18: {  	v3 =	vld [tilespmem:s15+$0x100]  }
0x19: {  	v4 =	vld [tilespmem:s15+$0x180]  }
0x1a: {  	v5 =	vld [tilespmem:s15+$0x200]  }
0x1b: {  	s31 =	sor.u32 s13, s14;
	v6 =	vld [tilespmem:s15+$0x280]  }
0x1c: {  	s16 =	sor.u32 $0x380, s31;
	v7 =	vld [tilespmem:s15+$0x300]  }
0x1d: {  	v8 =	vld [tilespmem:s16+$0x0]  }
0x1e: {  	v9 =	vld [tilespmem:s15+$0x1000]  }
0x1f: {  	v10 =	vld [tilespmem:s15+$0x1080]  }
0x20: {  	v11 =	vld [tilespmem:s15+$0x1100]  }
0x21: {  	v12 =	vld [tilespmem:s15+$0x1180]  }
0x22: {  	v13 =	vld [tilespmem:s15+$0x1200]  }
0x23: {  	v14 =	vld [tilespmem:s15+$0x1280]  }
0x24: {  	v15 =	vld [tilespmem:s15+$0x1300]  }
0x25: {  	v16 =	vld [tilespmem:s15+$0x1380]  }
0x26: {  	v17 =	vld [tilespmem:s15+$0x2000]  }
0x27: {  	v18 =	vld [tilespmem:s15+$0x2080]  }
0x28: {  	v19 =	vld [tilespmem:s15+$0x2100]  }
0x29: {  	v20 =	vld [tilespmem:s15+$0x2180]  }
0x2a: {  	v21 =	vld [tilespmem:s15+$0x2200]  }
0x2b: {  	v22 =	vld [tilespmem:s15+$0x2280]  }
0x2c: {  	v23 =	vld [tilespmem:s15+$0x2300]  }
0x2d: {  	v24 =	vld [tilespmem:s15+$0x2380]  }
0x2e: {  	v25 =	vld [tilespmem:s15+$0x3000]  }
0x2f: {  	v26 =	vld [tilespmem:s15+$0x3080]  }
0x30: {  	v27 =	vld [tilespmem:s15+$0x3100]  }
0x31: {  	v28 =	vld [tilespmem:s15+$0x3180]  }
0x32: {  	v29 =	vld [tilespmem:s15+$0x3200]  }
0x33: {  	v30 =	vld [tilespmem:s15+$0x3280]  }
0x34: {  	v31 =	vld [tilespmem:s15+$0x3300]  }
0x35: {  	v32 =	vld [tilespmem:s15+$0x3380]  }
0x36: {  	v33 =	vld [tilespmem:s15+$0x4000]  }
0x37: {  	v34 =	vld [tilespmem:s15+$0x4080]  }
0x38: {  	v35 =	vld [tilespmem:s15+$0x4100]  }
0x39: {  	v36 =	vld [tilespmem:s15+$0x4180]  }
0x3a: {  	v37 =	vld [tilespmem:s15+$0x4200]  }
0x3b: {  	v38 =	vld [tilespmem:s15+$0x4280]  }
0x3c: {  	v39 =	vld [tilespmem:s15+$0x4300]  }
0x3d: {  	v40 =	vld [tilespmem:s15+$0x4380]  }
0x3e: {  	v41 =	vld [tilespmem:s15+$0x5000]  }
0x3f: {  	v42 =	vld [tilespmem:s15+$0x5080]  }
0x40: {  	v43 =	vld [tilespmem:s15+$0x5100]  }
0x41: {  	v44 =	vld [tilespmem:s15+$0x5180]  }
0x42: {  	v2 =	vpack.i.b32.b16 v2, v1;
	v1 =	vld [tilespmem:s15+$0x5200]  }
0x43: {  	v52 =	vpack.i.b32.b16 v8, v7;
	v8 =	vld [tilespmem:s15+$0x5380]  }
0x44: {  	v3 =	vpack.i.b32.b16 v4, v3;
	v4 =	vld [tilespmem:s15+$0x6000]  }
0x45: {  	v11 =	vpack.i.b32.b16 v12, v11;
	v12 =	vld [tilespmem:s15+$0x6080]  }
0x46: {  	v61 =	vpack.i.b32.b16 v14, v13;
	v13 =	vld [tilespmem:s15+$0x6180]  }
0x47: {  	v14 =	vld [tilespmem:s15+$0x6280]  }
0x48: {  	v15 =	vpack.i.b32.b16 v16, v15;
	v16 =	vld [tilespmem:s15+$0x6300]  }
0x49: {  	v19 =	vpack.i.b32.b16 v20, v19;
	v20 =	vld [tilespmem:s15+$0x6380]  }
0x4a: {  	v47 =	vpack.i.b32.b16 v36, v35;
	v35 =	vld [tilespmem:s15+$0x9080]  }
0x4b: {  	v36 =	vld [tilespmem:s15+$0x9200]  }
0x4c: {  	v9 =	vpack.i.b32.b16 v10, v9;
	v45 =	vpack.i.b16.b8 v3, v2;
	v2 =	vld [tilespmem:s15+$0x5280]  }
0x4d: {  	v17 =	vpack.i.b32.b16 v18, v17;
	v59 =	vpack.i.b16.b8 v11, v9;
	v9 =	vld [tilespmem:s15+$0x6100]  }
0x4e: {  	v3 =	vpack.i.b32.b16 v6, v5;
	v17 =	vpack.i.b16.b8 v19, v17;
	v19 =	vld [tilespmem:s15+$0x7080]  }
0x4f: {  	v53 =	vshrl.u32 v45, $0x1;
	v6 =	vpack.i.b16.b8 v52, v3;
	v3 =	vld [tilespmem:s15+$0x5300]  }
0x50: {  	v21 =	vpack.i.b32.b16 v22, v21;
	v5 =	vand.u32 $0x1010101, v53;
	v53 =	vpack.i.b32.b16 v24, v23;
	v23 =	vld [tilespmem:s15+$0x7180]  }
0x51: {  	v11 =	vpack.i.b16.b8 v15, v61;
	v54 =	vand.u32 $0x1010101, v45;
	v60 =	vshrl.u32 v59, $0x1;
	v24 =	vld [tilespmem:s15+$0x7280]  }
0x52: {  	v62 =	vand.u32 $0x1010101, v59;
	v63 =	vand.u32 $0x1010101, v60;
	v60 =	vpack.i.b32.b16 v30, v29;
	v30 =	vld [tilespmem:s15+$0x8080]  }
0x53: {  	v49 =	vand.u32 $0x1010101, v11;
	v50 =	vshrl.u32 v11, $0x1;
	v55 =	vand.u32 $0x1010101, v6;
	v29 =	vld [tilespmem:s15+$0x8180]  }
0x54: {  	v46 =	vshrl.u32 v6, $0x1;
	v18 =	vand.u32 $0x1010101, v50;
	v50 =	vpack.i.b32.b16 v38, v37;
	v37 =	vld [tilespmem:s15+$0x9000]  }
0x55: {  	v7 =	vadd.s32 v54, v55;
	v57 =	vand.u32 $0x1010101, v46;
	v54 =	vpack.i.b16.b8 v53, v21;
	v21 =	vld [tilespmem:s15+$0x7200]  }
0x56: {  	v51 =	vand.u32 $0x1010101, v17;
	v56 =	vand.u32 v45, v5;
	v46 =	vadd.s32 v5, v57;
	v5 =	vld [tilespmem:s15+$0x6200]  }
0x57: {  	v52 =	vshrl.u32 v17, $0x1;
	v7 =	vadd.s32 v62, v7;
	v62 =	vpack.i.b32.b16 v32, v31;
	v31 =	vld [tilespmem:s15+$0x8300]  }
0x58: {  	v11 =	vand.u32 v11, v18;
	v58 =	vand.u32 v6, v57;
	v4 =	vpack.i.b32.b16 v12, v4;
	v12 =	vld [tilespmem:s15+$0xA080]  }
0x59: {  	v6 =	vand.u32 v59, v63;
	v10 =	vadd.s32 v56, v58;
	v58 =	vpack.i.b32.b16 v28, v27;
	v27 =	vld [tilespmem:s15+$0x7300]  }
0x5a: {  	v55 =	vshrl.u32 v54, $0x1;
	v57 =	vand.u32 $0x1010101, v54;
	v56 =	vpack.i.b32.b16 v26, v25;
	v25 =	vld [tilespmem:s15+$0x7380]  }
0x5b: {  	v48 =	vadd.s32 v63, v46;
	v7 =	vadd.s32 v49, v7;
	v63 =	vpack.i.b16.b8 v62, v60;
	v26 =	vld [tilespmem:s15+$0x8100]  }
0x5c: {  	v46 =	vpack.i.b32.b16 v34, v33;
	v33 =	vld [tilespmem:s15+$0x8280];
	v1 =	vpack.i.b32.b16 v2, v1;
	v9 =	vpack.i.b32.b16 v13, v9  }
0x5d: {  	v34 =	vld [tilespmem:s15+$0x8380];
	v10 =	vadd.s32 v6, v10;
	v15 =	vadd.s32 v18, v48;
	v7 =	vadd.s32 v51, v7  }
0x5e: {  	v13 =	vld [tilespmem:s15+$0xA100];
	v22 =	vpack.i.b16.b8 v58, v56;
	v32 =	vand.u32 $0x1010101, v63;
	v45 =	vshrl.u32 v63, $0x1  }
0x5f: {  	v6 =	vld [tilespmem:s15+$0x7000];
	v48 =	vpack.i.b16.b8 v47, v46;
	v56 =	vpack.i.b32.b16 v44, v43;
	v3 =	vpack.i.b32.b16 v8, v3  }
0x60: {  	v18 =	vld [tilespmem:s15+$0x7100];
	v4 =	vpack.i.b16.b8 v9, v4;
	v10 =	vadd.s32 v11, v10;
	v11 =	vand.u32 $0x1010101, v52  }
0x61: {  	v8 =	vld [tilespmem:s15+$0x9380];
	v7 =	vadd.s32 v57, v7;
	v59 =	vand.u32 $0x1010101, v22;
	v61 =	vshrl.u32 v22, $0x1  }
0x62: {  	v9 =	vld [tilespmem:s15+$0xA180];
	v49 =	vshrl.u32 v48, $0x1;
	v51 =	vand.u32 $0x1010101, v48;
	v52 =	vpack.i.b32.b16 v40, v39  }
0x63: {  	v40 =	vld [tilespmem:s15+$0x9180];
	v1 =	vpack.i.b16.b8 v3, v1;
	v62 =	vshrl.u32 v4, $0x1;
	v15 =	vadd.s32 v11, v15  }
0x64: {  	v39 =	vld [tilespmem:s15+$0x9280];
	v11 =	vand.u32 v17, v11;
	v28 =	vand.u32 $0x1010101, v61;
	v7 =	vadd.s32 v59, v7  }
0x65: {  	v3 =	vld [tilespmem:s15+$0xA000];
	v60 =	vshrl.u32 v1, $0x1;
	v61 =	vand.u32 $0x1010101, v1;
	v43 =	vpack.i.b32.b16 v24, v21  }
0x66: {  	v24 =	vld [tilespmem:s15+$0xB200];
	v10 =	vadd.s32 v11, v10;
	v11 =	vand.u32 $0x1010101, v55;
	v22 =	vand.u32 v22, v28  }
0x67: {  	v21 =	vld [tilespmem:s15+$0xB280];
	v7 =	vadd.s32 v32, v7;
	v32 =	vpack.i.b16.b8 v52, v50;
	v5 =	vpack.i.b32.b16 v14, v5  }
0x68: {  	v14 =	vand.u32 $0x1010101, v62;
	v17 =	vand.u32 v54, v11;
	v47 =	vpack.i.b32.b16 v29, v26;
	v26 =	vld [tilespmem:s15+$0xB380]  }
0x69: {  	v11 =	vadd.s32 v11, v15;
	v7 =	vadd.s32 v51, v7;
	v53 =	vand.u32 $0x1010101, v32;
	v29 =	vld [tilespmem:s15+$0xC180]  }
0x6a: {  	v54 =	vpack.i.b32.b16 v42, v41;
	v55 =	vshrl.u32 v32, $0x1;
	v52 =	vpack.i.b32.b16 v34, v31;
	v34 =	vld [tilespmem:s15+$0xD080]  }
0x6b: {  	v10 =	vadd.s32 v17, v10;
	v17 =	vld [tilespmem:s15+$0x8000];
	v11 =	vadd.s32 v28, v11;
	v38 =	vand.u32 $0x1010101, v55  }
0x6c: {  	v28 =	vld [tilespmem:s15+$0x8200];
	v7 =	vadd.s32 v53, v7;
	v57 =	vpack.i.b16.b8 v56, v54;
	v6 =	vpack.i.b32.b16 v19, v6  }
0x6d: {  	v18 =	vpack.i.b32.b16 v23, v18;
	v19 =	vld [tilespmem:s15+$0xB080];
	v55 =	vpack.i.b32.b16 v35, v37;
	v9 =	vpack.i.b32.b16 v9, v13  }
0x6e: {  	v56 =	vld [tilespmem:s15+$0xC280];
	v10 =	vadd.s32 v22, v10;
	v22 =	vand.u32 $0x1010101, v45;
	v32 =	vand.u32 v32, v38  }
0x6f: {  	v58 =	vand.u32 $0x1010101, v57;
	v59 =	vshrl.u32 v57, $0x1;
	v41 =	vpack.i.b16.b8 v18, v6;
	v6 =	vld [tilespmem:s15+$0xB100]  }
0x70: {  	v45 =	vpack.i.b32.b16 v25, v27;
	v25 =	vld [tilespmem:s15+$0xC080];
	v3 =	vpack.i.b32.b16 v12, v3;
	v11 =	vadd.s32 v22, v11  }
0x71: {  	v27 =	vld [tilespmem:s15+$0xC200];
	v15 =	vand.u32 v63, v22;
	v7 =	vadd.s32 v58, v7;
	v2 =	vand.u32 $0x1010101, v59  }
0x72: {  	v63 =	vpack.i.b32.b16 v20, v16;
	v16 =	vld [tilespmem:s15+$0xA280];
	v42 =	vshrl.u32 v41, $0x1;
	v44 =	vand.u32 $0x1010101, v41  }
0x73: {  	v18 =	vpack.i.b16.b8 v45, v43;
	v58 =	vld [tilespmem:s15+$0xC300];
	v3 =	vpack.i.b16.b8 v9, v3;
	v10 =	vadd.s32 v15, v10  }
0x74: {  	v59 =	vld [tilespmem:s15+$0xC380];
	v15 =	vand.u32 $0x1010101, v49;
	v7 =	vadd.s32 v61, v7;
	v5 =	vpack.i.b16.b8 v63, v5  }
0x75: {  	v43 =	vld [tilespmem:s15+$0xE000];
	v46 =	vand.u32 $0x1010101, v18;
	v23 =	vshrl.u32 v18, $0x1;
	v61 =	vpack.i.b32.b16 v39, v36  }
0x76: {  	v45 =	vld [tilespmem:s15+$0xE100];
	v22 =	vand.u32 v48, v15;
	v11 =	vadd.s32 v15, v11;
	v20 =	vand.u32 $0x1010101, v5  }
0x77: {  	v36 =	vld [tilespmem:s15+$0xD200];
	v23 =	vand.u32 $0x1010101, v23;
	v10 =	vadd.s32 v22, v10;
	v11 =	vadd.s32 v38, v11  }
0x78: {  	v39 =	vld [tilespmem:s15+$0xD300];
	v17 =	vpack.i.b32.b16 v30, v17;
	v18 =	vand.u32 v18, v23;
	v51 =	vpack.i.b32.b16 v33, v28  }
0x79: {  	v15 =	vld [tilespmem:s15+$0xA380];
	v10 =	vadd.s32 v32, v10;
	v11 =	vadd.s32 v2, v11;
	v2 =	vand.u32 v57, v2  }
0x7a: {  	v22 =	vld [tilespmem:s15+$0x9100];
	v32 =	vshrl.u32 v5, $0x1;
	v48 =	vpack.i.b16.b8 v47, v17;
	v53 =	vpack.i.b16.b8 v52, v51  }
0x7b: {  	v38 =	vld [tilespmem:s15+$0x9300];
	v56 =	vpack.i.b32.b16 v56, v27;
	v2 =	vadd.s32 v2, v10;
	v10 =	vand.u32 $0x1010101, v60  }
0x7c: {  	v28 =	vld [tilespmem:s15+$0x15180];
	v49 =	vand.u32 $0x1010101, v48;
	v50 =	vshrl.u32 v48, $0x1;
	v54 =	vshrl.u32 v53, $0x1  }
0x7d: {  	v17 =	vld [tilespmem:s15+$0xC000];
	v57 =	vand.u32 $0x1010101, v53;
	v58 =	vpack.i.b32.b16 v59, v58;
	v1 =	vand.u32 v1, v10  }
0x7e: {  	v47 =	vld [tilespmem:s15+$0xE180];
	v10 =	vadd.s32 v10, v11;
	v1 =	vadd.s32 v1, v2;
	v2 =	vand.u32 $0x1010101, v4  }
0x7f: {  	v52 =	vld [tilespmem:s15+$0xF080];
	v10 =	vadd.s32 v14, v10;
	v4 =	vand.u32 v4, v14;
	v2 =	vadd.s32 v2, v7  }
0x80: {  	v59 =	vld [tilespmem:s15+$0xF280];
	v1 =	vadd.s32 v4, v1;
	v4 =	vand.u32 $0x1010101, v32;
	v22 =	vpack.i.b32.b16 v40, v22  }
0x81: {  	v11 =	vld [tilespmem:s15+$0xA200];
	v8 =	vpack.i.b32.b16 v8, v38;
	v40 =	vshrl.u32 v3, $0x1;
	v2 =	vadd.s32 v20, v2  }
0x82: {  	v14 =	vld [tilespmem:s15+$0xB000];
	v10 =	vadd.s32 v4, v10;
	v4 =	vand.u32 v5, v4;
	v22 =	vpack.i.b16.b8 v22, v55  }
0x83: {  	v7 =	vld [tilespmem:s15+$0xA300];
	v63 =	vpack.i.b16.b8 v8, v61;
	v17 =	vpack.i.b32.b16 v25, v17;
	v1 =	vadd.s32 v4, v1  }
0x84: {  	v38 =	vld [tilespmem:s15+$0xD280];
	v4 =	vand.u32 $0x1010101, v42;
	v2 =	vadd.s32 v44, v2;
	v60 =	vand.u32 $0x1010101, v22  }
0x85: {  	v32 =	vld [tilespmem:s15+$0x10000];
	v62 =	vshrl.u32 v22, $0x1;
	v31 =	vand.u32 $0x1010101, v63;
	v35 =	vshrl.u32 v63, $0x1  }
0x86: {  	v20 =	vld [tilespmem:s15+$0xB180];
	v42 =	vand.u32 $0x1010101, v3;
	v5 =	vand.u32 v41, v4;
	v4 =	vadd.s32 v4, v10  }
0x87: {  	v8 =	vld [tilespmem:s15+$0xD100];
	v2 =	vadd.s32 v46, v2;
	v33 =	vand.u32 $0x1010101, v62;
	v37 =	vand.u32 $0x1010101, v35  }
0x88: {  	v61 =	vld [tilespmem:s15+$0xF300];
	v11 =	vpack.i.b32.b16 v16, v11;
	v1 =	vadd.s32 v5, v1;
	v4 =	vadd.s32 v23, v4  }
0x89: {  	v44 =	vld [tilespmem:s15+$0xE080];
	v2 =	vadd.s32 v49, v2;
	v22 =	vand.u32 v22, v33;
	v14 =	vpack.i.b32.b16 v19, v14  }
0x8a: {  	v10 =	vld [tilespmem:s15+$0xB300];
	v49 =	vpack.i.b32.b16 v21, v24;
	v1 =	vadd.s32 v18, v1;
	v18 =	vand.u32 $0x1010101, v50  }
0x8b: {  	v41 =	vld [tilespmem:s15+$0xD380];
	v2 =	vadd.s32 v57, v2;
	v7 =	vpack.i.b32.b16 v15, v7;
	v13 =	vpack.i.b32.b16 v38, v36  }
0x8c: {  	v23 =	vld [tilespmem:s15+$0xC100];
	v4 =	vadd.s32 v18, v4;
	v5 =	vand.u32 v48, v18;
	v2 =	vadd.s32 v60, v2  }
0x8d: {  	v24 =	vld [tilespmem:s15+$0xF100];
	v7 =	vpack.i.b16.b8 v7, v11;
	v6 =	vpack.i.b32.b16 v20, v6;
	v60 =	vpack.i.b16.b8 v58, v56  }
0x8e: {  	v50 =	vld [tilespmem:s15+$0xE380];
	v1 =	vadd.s32 v5, v1;
	v5 =	vand.u32 $0x1010101, v54;
	v2 =	vadd.s32 v31, v2  }
0x8f: {  	v36 =	vld [tilespmem:s15+$0x10180];
	v46 =	vshrl.u32 v7, $0x1;
	v62 =	vand.u32 $0x1010101, v60;
	v30 =	vshrl.u32 v60, $0x1  }
0x90: {  	v38 =	vld [tilespmem:s15+$0x10200];
	v11 =	vpack.i.b32.b16 v44, v43;
	v18 =	vand.u32 v53, v5;
	v4 =	vadd.s32 v5, v4  }
0x91: {  	v56 =	vld [tilespmem:s15+$0x11380];
	v5 =	vand.u32 v63, v37;
	v2 =	vadd.s32 v42, v2;
	v16 =	vand.u32 $0x1010101, v46  }
0x92: {  	v58 =	vld [tilespmem:s15+$0x12000];
	v10 =	vpack.i.b32.b16 v26, v10;
	v9 =	vpack.i.b32.b16 v41, v39;
	v1 =	vadd.s32 v18, v1  }
0x93: {  	v20 =	vld [tilespmem:s15+$0x18000];
	v4 =	vadd.s32 v33, v4;
	v51 =	vpack.i.b16.b8 v10, v49;
	v23 =	vpack.i.b32.b16 v29, v23  }
0x94: {  	v54 =	vld [tilespmem:s15+$0xF180];
	v9 =	vpack.i.b16.b8 v9, v13;
	v1 =	vadd.s32 v22, v1;
	v4 =	vadd.s32 v37, v4  }
0x95: {  	v43 =	vld [tilespmem:s15+$0x10380];
	v53 =	vand.u32 $0x1010101, v51;
	v17 =	vpack.i.b16.b8 v23, v17;
	v42 =	vshrl.u32 v9, $0x1  }
0x96: {  	v63 =	vld [tilespmem:s15+$0xF380];
	v1 =	vadd.s32 v5, v1;
	v5 =	vand.u32 $0x1010101, v40;
	v55 =	vand.u32 $0x1010101, v17  }
0x97: {  	v39 =	vld [tilespmem:s15+$0x10280];
	v57 =	vshrl.u32 v17, $0x1;
	v40 =	vand.u32 $0x1010101, v9;
	v15 =	vand.u32 $0x1010101, v42  }
0x98: {  	v18 =	vld [tilespmem:s15+$0xD000];
	v3 =	vand.u32 v3, v5;
	v4 =	vadd.s32 v5, v4;
	v25 =	vand.u32 $0x1010101, v57  }
0x99: {  	v33 =	vld [tilespmem:s15+$0xD180];
	v5 =	vpack.i.b32.b16 v47, v45;
	v9 =	vand.u32 v9, v15;
	v54 =	vpack.i.b32.b16 v54, v24  }
0x9a: {  	v10 =	vld [tilespmem:s15+$0xF000];
	v1 =	vadd.s32 v3, v1;
	v3 =	vand.u32 $0x1010101, v7;
	v4 =	vadd.s32 v16, v4  }
0x9b: {  	v31 =	vld [tilespmem:s15+$0x12280];
	v7 =	vand.u32 v7, v16;
	v17 =	vand.u32 v17, v25;
	v44 =	vpack.i.b16.b8 v5, v11  }
0x9c: {  	v41 =	vld [tilespmem:s15+$0x10300];
	v23 =	vpack.i.b32.b16 v63, v61;
	v12 =	vpack.i.b32.b16 v39, v38;
	v2 =	vadd.s32 v3, v2  }
0x9d: {  	v46 =	vld [tilespmem:s15+$0x11080];
	v3 =	vpack.i.b16.b8 v6, v14;
	v1 =	vadd.s32 v7, v1;
	v18 =	vpack.i.b32.b16 v34, v18  }
0x9e: {  	v26 =	vld [tilespmem:s15+$0x15100];
	v8 =	vpack.i.b32.b16 v33, v8;
	v11 =	vand.u32 $0x1010101, v44;
	v47 =	vshrl.u32 v44, $0x1  }
0x9f: {  	v45 =	vld [tilespmem:s15+$0x11000];
	v10 =	vpack.i.b32.b16 v52, v10;
	v14 =	vand.u32 $0x1010101, v3;
	v48 =	vshrl.u32 v3, $0x1  }
0xa0: {  	v16 =	vld [tilespmem:s15+$0xE280];
	v8 =	vpack.i.b16.b8 v8, v18;
	v10 =	vpack.i.b16.b8 v54, v10;
	v2 =	vadd.s32 v14, v2  }
0xa1: {  	v6 =	vld [tilespmem:s15+$0xE200];
	v7 =	vand.u32 $0x1010101, v48;
	v35 =	vshrl.u32 v8, $0x1;
	v37 =	vand.u32 $0x1010101, v8  }
0xa2: {  	v49 =	vld [tilespmem:s15+$0x11180];
	v57 =	vand.u32 $0x1010101, v10;
	v21 =	vshrl.u32 v10, $0x1;
	v4 =	vadd.s32 v7, v4  }
0xa3: {  	v14 =	vld [tilespmem:s15+$0xE300];
	v3 =	vand.u32 v3, v7;
	v2 =	vadd.s32 v53, v2;
	v21 =	vand.u32 $0x1010101, v21  }
0xa4: {  	v33 =	vld [tilespmem:s15+$0x10080];
	v5 =	vpack.i.b32.b16 v46, v45;
	v1 =	vadd.s32 v3, v1;
	v3 =	vshrl.u32 v51, $0x1  }
0xa5: {  	v48 =	vld [tilespmem:s15+$0x11100];
	v2 =	vadd.s32 v55, v2;
	v10 =	vand.u32 v10, v21;
	v3 =	vand.u32 $0x1010101, v3  }
0xa6: {  	v22 =	vld [tilespmem:s15+$0x15000];
	v2 =	vadd.s32 v62, v2;
	v6 =	vpack.i.b32.b16 v16, v6;
	v7 =	vand.u32 v51, v3  }
0xa7: {  	v34 =	vld [tilespmem:s15+$0x10100];
	v3 =	vadd.s32 v3, v4;
	v2 =	vadd.s32 v37, v2;
	v1 =	vadd.s32 v7, v1  }
0xa8: {  	v61 =	vld [tilespmem:s15+$0x12100];
	v3 =	vadd.s32 v25, v3;
	v2 =	vadd.s32 v40, v2;
	v14 =	vpack.i.b32.b16 v50, v14  }
0xa9: {  	v63 =	vld [tilespmem:s15+$0x12180];
	v25 =	vpack.i.b32.b16 v33, v32;
	v1 =	vadd.s32 v17, v1;
	v17 =	vand.u32 $0x1010101, v30  }
0xaa: {  	v52 =	vld [tilespmem:s15+$0x11280];
	v2 =	vadd.s32 v11, v2;
	v6 =	vpack.i.b16.b8 v14, v6;
	v11 =	vpack.i.b32.b16 v49, v48  }
0xab: {  	v54 =	vld [tilespmem:s15+$0x14100];
	v3 =	vadd.s32 v17, v3;
	v4 =	vand.u32 v60, v17;
	v51 =	vshrl.u32 v6, $0x1  }
0xac: {  	v7 =	vld [tilespmem:s15+$0xF200];
	v53 =	vand.u32 $0x1010101, v6;
	v17 =	vpack.i.b32.b16 v36, v34;
	v42 =	vpack.i.b16.b8 v11, v5  }
0xad: {  	v55 =	vld [tilespmem:s15+$0x11300];
	v1 =	vadd.s32 v4, v1;
	v4 =	vand.u32 $0x1010101, v35;
	v2 =	vadd.s32 v53, v2  }
0xae: {  	v37 =	vld [tilespmem:s15+$0x13080];
	v32 =	vpack.i.b16.b8 v17, v25;
	v11 =	vand.u32 $0x1010101, v42;
	v45 =	vshrl.u32 v42, $0x1  }
0xaf: {  	v30 =	vld [tilespmem:s15+$0x12200];
	v8 =	vand.u32 v8, v4;
	v3 =	vadd.s32 v4, v3;
	v2 =	vadd.s32 v57, v2  }
0xb0: {  	v50 =	vld [tilespmem:s15+$0x11200];
	v34 =	vshrl.u32 v32, $0x1;
	v25 =	vand.u32 $0x1010101, v32;
	v1 =	vadd.s32 v8, v1  }
0xb1: {  	v36 =	vld [tilespmem:s15+$0x13000];
	v3 =	vadd.s32 v15, v3;
	v7 =	vpack.i.b32.b16 v59, v7;
	v8 =	vpack.i.b32.b16 v43, v41  }
0xb2: {  	v33 =	vld [tilespmem:s15+$0x12300];
	v1 =	vadd.s32 v9, v1;
	v9 =	vand.u32 $0x1010101, v47;
	v60 =	vpack.i.b16.b8 v23, v7  }
0xb3: {  	v35 =	vld [tilespmem:s15+$0x12380];
	v8 =	vpack.i.b16.b8 v8, v12;
	v47 =	vpack.i.b32.b16 v56, v55;
	v7 =	vpack.i.b32.b16 v63, v61  }
0xb4: {  	v46 =	vld [tilespmem:s15+$0x13300];
	v18 =	vpack.i.b32.b16 v31, v30;
	v3 =	vadd.s32 v9, v3;
	v4 =	vand.u32 v44, v9  }
0xb5: {  	v48 =	vld [tilespmem:s15+$0x13380];
	v62 =	vand.u32 $0x1010101, v60;
	v29 =	vshrl.u32 v60, $0x1;
	v38 =	vand.u32 $0x1010101, v8  }
0xb6: {  	v59 =	vld [tilespmem:s15+$0x12080];
	v40 =	vshrl.u32 v8, $0x1;
	v9 =	vpack.i.b32.b16 v52, v50;
	v12 =	vpack.i.b32.b16 v37, v36  }
0xb7: {  	v43 =	vld [tilespmem:s15+$0x13200];
	v1 =	vadd.s32 v4, v1;
	v4 =	vand.u32 $0x1010101, v51;
	v2 =	vadd.s32 v62, v2  }
0xb8: {  	v55 =	vld [tilespmem:s15+$0x14180];
	v15 =	vand.u32 $0x1010101, v40;
	v49 =	vpack.i.b16.b8 v47, v9;
	v13 =	vpack.i.b32.b16 v35, v33  }
0xb9: {  	v44 =	vld [tilespmem:s15+$0x13280];
	v6 =	vand.u32 v6, v4;
	v3 =	vadd.s32 v4, v3;
	v2 =	vadd.s32 v25, v2  }
0xba: {  	v50 =	vld [tilespmem:s15+$0x14000];
	v8 =	vand.u32 v8, v15;
	v51 =	vshrl.u32 v49, $0x1;
	v53 =	vand.u32 $0x1010101, v49  }
0xbb: {  	v52 =	vld [tilespmem:s15+$0x14080];
	v1 =	vadd.s32 v6, v1;
	v3 =	vadd.s32 v21, v3;
	v2 =	vadd.s32 v38, v2  }
0xbc: {  	v61 =	vld [tilespmem:s15+$0x14300];
	v6 =	vpack.i.b32.b16 v59, v58;
	v1 =	vadd.s32 v10, v1;
	v10 =	vand.u32 $0x1010101, v29  }
0xbd: {  	v30 =	vld [tilespmem:s15+$0x15200];
	v2 =	vadd.s32 v11, v2;
	v6 =	vpack.i.b16.b8 v7, v6;
	v11 =	vpack.i.b32.b16 v48, v46  }
0xbe: {  	v62 =	vld [tilespmem:s15+$0x14380];
	v7 =	vpack.i.b32.b16 v55, v54;
	v3 =	vadd.s32 v10, v3;
	v4 =	vand.u32 v60, v10  }
0xbf: {  	v31 =	vld [tilespmem:s15+$0x15280];
	v2 =	vadd.s32 v53, v2;
	v56 =	vand.u32 $0x1010101, v6;
	v58 =	vshrl.u32 v6, $0x1  }
0xc0: {  	v39 =	vld [tilespmem:s15+$0x13100];
	v60 =	vpack.i.b16.b8 v13, v18;
	v5 =	vpack.i.b32.b16 v44, v43;
	v9 =	vpack.i.b32.b16 v52, v50  }
0xc1: {  	v41 =	vld [tilespmem:s15+$0x13180];
	v1 =	vadd.s32 v4, v1;
	v4 =	vand.u32 $0x1010101, v34;
	v21 =	vand.u32 $0x1010101, v58  }
0xc2: {  	v37 =	vld [tilespmem:s15+$0x16000];
	v2 =	vadd.s32 v56, v2;
	v18 =	vand.u32 $0x1010101, v60;
	v63 =	vshrl.u32 v60, $0x1  }
0xc3: {  	v38 =	vld [tilespmem:s15+$0x16080];
	v5 =	vpack.i.b16.b8 v11, v5;
	v36 =	vpack.i.b16.b8 v7, v9;
	v13 =	vpack.i.b32.b16 v62, v61  }
0xc4: {  	v24 =	vld [tilespmem:s15+$0x15080];
	v11 =	vpack.i.b32.b16 v31, v30;
	v10 =	vand.u32 v32, v4;
	v3 =	vadd.s32 v4, v3  }
0xc5: {  	v57 =	vld [tilespmem:s15+$0x14200];
	v6 =	vand.u32 v6, v21;
	v2 =	vadd.s32 v18, v2;
	v32 =	vand.u32 $0x1010101, v5  }
0xc6: {  	v33 =	vld [tilespmem:s15+$0x15300];
	v34 =	vshrl.u32 v5, $0x1;
	v9 =	vand.u32 $0x1010101, v36;
	v1 =	vadd.s32 v10, v1  }
0xc7: {  	v40 =	vld [tilespmem:s15+$0x16100];
	v3 =	vadd.s32 v15, v3;
	v10 =	vpack.i.b32.b16 v41, v39;
	v14 =	vand.u32 $0x1010101, v34  }
0xc8: {  	v59 =	vld [tilespmem:s15+$0x14280];
	v39 =	vshrl.u32 v36, $0x1;
	v7 =	vpack.i.b32.b16 v38, v37;
	v1 =	vadd.s32 v8, v1  }
0xc9: {  	v46 =	vld [tilespmem:s15+$0x16280];
	v8 =	vand.u32 $0x1010101, v45;
	v25 =	vpack.i.b16.b8 v10, v12;
	v5 =	vand.u32 v5, v14  }
0xca: {  	v43 =	vld [tilespmem:s15+$0x16200];
	v45 =	vpack.i.b32.b16 v24, v22;
	v10 =	vpack.i.b32.b16 v28, v26;
	v3 =	vadd.s32 v8, v3  }
0xcb: {  	v41 =	vld [tilespmem:s15+$0x16180];
	v4 =	vand.u32 v42, v8;
	v27 =	vshrl.u32 v25, $0x1;
	v29 =	vand.u32 $0x1010101, v25  }
0xcc: {  	v22 =	vld [tilespmem:s15+$0x18080];
	v10 =	vpack.i.b16.b8 v10, v45;
	v1 =	vadd.s32 v4, v1;
	v4 =	vand.u32 $0x1010101, v51  }
0xcd: {  	v24 =	vld [tilespmem:s15+$0x18100];
	v2 =	vadd.s32 v29, v2;
	v50 =	vand.u32 $0x1010101, v10;
	v52 =	vshrl.u32 v10, $0x1  }
0xce: {  	v26 =	vld [tilespmem:s15+$0x18180];
	v8 =	vand.u32 v49, v4;
	v3 =	vadd.s32 v4, v3;
	v2 =	vadd.s32 v32, v2  }
0xcf: {  	v35 =	vld [tilespmem:s15+$0x15380];
	v18 =	vand.u32 $0x1010101, v52;
	v1 =	vadd.s32 v8, v1;
	v3 =	vadd.s32 v21, v3  }
0xd0: {  	v48 =	vld [tilespmem:s15+$0x16300];
	v2 =	vadd.s32 v9, v2;
	v8 =	vpack.i.b32.b16 v59, v57;
	v10 =	vand.u32 v10, v18  }
0xd1: {  	v55 =	vld [tilespmem:s15+$0x17100];
	v9 =	vpack.i.b32.b16 v41, v40;
	v1 =	vadd.s32 v6, v1;
	v6 =	vand.u32 $0x1010101, v63  }
0xd2: {  	v49 =	vld [tilespmem:s15+$0x16380];
	v42 =	vpack.i.b16.b8 v13, v8;
	v7 =	vpack.i.b16.b8 v9, v7;
	v8 =	vpack.i.b32.b16 v46, v43  }
0xd3: {  	v58 =	vld [tilespmem:s15+$0x17200];
	v37 =	vpack.i.b32.b16 v22, v20;
	v38 =	vpack.i.b32.b16 v26, v24;
	v3 =	vadd.s32 v6, v3  }
0xd4: {  	v59 =	vld [tilespmem:s15+$0x17280];
	v4 =	vand.u32 v60, v6;
	v44 =	vshrl.u32 v42, $0x1;
	v47 =	vand.u32 $0x1010101, v42  }
0xd5: {  	v53 =	vld [tilespmem:s15+$0x17080];
	v61 =	vand.u32 $0x1010101, v7;
	v1 =	vadd.s32 v4, v1;
	v4 =	vand.u32 $0x1010101, v27  }
0xd6: {  	v56 =	vld [tilespmem:s15+$0x17180];
	v62 =	vshrl.u32 v7, $0x1;
	v2 =	vadd.s32 v47, v2;
	v6 =	vand.u32 v25, v4  }
0xd7: {  	v31 =	vld [tilespmem:s15+$0x18300];
	v3 =	vadd.s32 v4, v3;
	v2 =	vadd.s32 v50, v2;
	v12 =	vpack.i.b32.b16 v49, v48  }
0xd8: {  	v63 =	vld [tilespmem:s15+$0x17380];
	v1 =	vadd.s32 v6, v1;
	v3 =	vadd.s32 v14, v3;
	v6 =	vpack.i.b32.b16 v35, v33  }
0xd9: {  	v60 =	vld [tilespmem:s15+$0x17300];
	v21 =	vpack.i.b16.b8 v12, v8;
	v30 =	vpack.i.b32.b16 v59, v58;
	v1 =	vadd.s32 v5, v1  }
0xda: {  	v51 =	vld [tilespmem:s15+$0x17000];
	v5 =	vand.u32 $0x1010101, v39;
	v54 =	vpack.i.b16.b8 v6, v11;
	v23 =	vand.u32 $0x1010101, v21  }
0xdb: {  	v29 =	vld [tilespmem:s15+$0x18280];
	v12 =	vshrl.u32 v21, $0x1;
	v6 =	vpack.i.b32.b16 v56, v55;
	v3 =	vadd.s32 v5, v3  }
0xdc: {  	v33 =	vld [tilespmem:s15+$0x18380];
	v4 =	vand.u32 v36, v5;
	v11 =	vand.u32 $0x1010101, v54;
	v57 =	vshrl.u32 v54, $0x1  }
0xdd: {  	v27 =	vld [tilespmem:s15+$0x18200];
	v25 =	vand.u32 $0x1010101, v12;
	v1 =	vadd.s32 v4, v1;
	v4 =	vand.u32 $0x1010101, v44  }
0xde: {  	v9 =	vpack.i.b32.b16 v63, v60;
	v2 =	vadd.s32 v11, v2;
	v5 =	vand.u32 v42, v4  }
0xdf: {  	v3 =	vadd.s32 v4, v3;
	v2 =	vadd.s32 v61, v2;
	v1 =	vadd.s32 v5, v1  }
0xe0: {  	v3 =	vadd.s32 v18, v3;
	v2 =	vadd.s32 v23, v2;
	v5 =	vpack.i.b32.b16 v53, v51  }
0xe1: {  	v39 =	vpack.i.b32.b16 v33, v31;
	v1 =	vadd.s32 v10, v1;
	v10 =	vand.u32 $0x1010101, v57  }
0xe2: {  	v28 =	vpack.i.b16.b8 v6, v5;
	v5 =	vpack.i.b32.b16 v29, v27;
	v3 =	vadd.s32 v10, v3  }
0xe3: {  	v4 =	vand.u32 v54, v10;
	v10 =	vand.u32 $0x1010101, v62;
	v6 =	vshrl.u32 v28, $0x1  }
0xe4: {  	v32 =	vand.u32 $0x1010101, v28;
	v5 =	vpack.i.b16.b8 v39, v5;
	v1 =	vadd.s32 v4, v1  }
0xe5: {  	v3 =	vadd.s32 v10, v3;
	v7 =	vand.u32 v7, v10;
	v4 =	vand.u32 v21, v25  }
0xe6: {  	v6 =	vand.u32 $0x1010101, v6;
	v2 =	vadd.s32 v32, v2;
	v42 =	vand.u32 $0x1010101, v5  }
0xe7: {  	v43 =	vshrl.u32 v5, $0x1;
	v1 =	vadd.s32 v7, v1;
	v3 =	vadd.s32 v25, v3  }
0xe8: {  	v7 =	vpack.i.b16.b8 v9, v30;
	v45 =	vand.u32 $0x1010101, v43;
	v1 =	vadd.s32 v4, v1  }
0xe9: {  	v3 =	vadd.s32 v6, v3;
	v34 =	vshrl.u32 v7, $0x1;
	v4 =	vand.u32 v28, v6  }
0xea: {  	v35 =	vand.u32 $0x1010101, v7;
	v6 =	vpack.i.b16.b8 v38, v37;
	v47 =	vand.u32 v5, v45  }
0xeb: {  	v14 =	vand.u32 $0x1010101, v34;
	v2 =	vadd.s32 v35, v2;
	v40 =	vand.u32 $0x1010101, v6  }
0xec: {  	v41 =	vshrl.u32 v6, $0x1;
	v3 =	vadd.s32 v14, v3;
	v2 =	vadd.s32 v40, v2  }
0xed: {  	v36 =	vand.u32 v7, v14;
	v7 =	vand.u32 $0x1010101, v41;
	v2 =	vadd.s32 v42, v2  }
0xee: {  	v46 =	vld [tilespmem:$0x19010];
	v1 =	vadd.s32 v4, v1;
	v3 =	vadd.s32 v7, v3;
	v2 =	vmul.u32 $0x1010101, v2  }
0xef: {  	v48 =	vld [tilespmem:$0x19000];
	v1 =	vadd.s32 v36, v1;
	v44 =	vand.u32 v6, v7;
	v3 =	vadd.s32 v45, v3  }
0xf0: {  	v49 =	vld [tilespmem:$0x19020];
	v1 =	vadd.s32 v44, v1;
	v3 =	vmul.u32 $0x1010101, v3;
	v2 =	vshrl.u32 v2, $0x18  }
0xf1: {  	v52 =	vmov s14;
	v1 =	vadd.s32 v47, v1;
	v2 =	vcvt.s32.f32 v2  }
0xf2: {  	v8 =	vshll.u32 v52, $0x2;
	v51 =	vld [tilespmem:$0x19030];
	v1 =	vmul.u32 $0x1010101, v1;
	v3 =	vshrl.u32 v3, $0x18  }
0xf3: {  	v53 =	vor.u32 s14, v0;
	v3 =	vcvt.s32.f32 v3;
	v50 =	vmul.f32 v2, v46  }
0xf4: {  	v8 =	vand.u32 $0x600, v8;
	v6 =	vand.u32 $0x7F, v53;
	v1 =	vshrl.u32 v1, $0x18  }
0xf5: {  	v1 =	vcvt.s32.f32 v1;
	v5 =	vmul.f32 v3, v49;
	v4 =	vadd.f32 v50, v48  }
0xf6: {  	v6 =	vor.u32 v6, v8  }
0xf7: {  	v54 =	vmul.f32 v1, v51;
	v4 =	vadd.f32 v5, v4;
	_ =	sdelay $0x1  }
0xf8: {  	v4 =	vadd.f32 v54, v4;
	_ =	sdelay $0x1  }
0xf9: {  	[tilespmem:v6+s11+$0x0] =	vst.idx.msk $0xffff, v4  }
0xfa: {  	v4 =	vld [tilespmem:$0x19050]  }
0xfb: {  	v55 =	vld [tilespmem:$0x19040]  }
0xfc: {  	v56 =	vld [tilespmem:$0x19060];
	_ =	sdelay $0x1  }
0xfd: {  	v57 =	vld [tilespmem:$0x19070]  }
0xfe: {  	v4 =	vmul.f32 v2, v4;
	_ =	sdelay $0x1  }
0xff: {  	v58 =	vmul.f32 v3, v56;
	v4 =	vadd.f32 v4, v55  }
0x100: {  	v59 =	vor.u32 $0x80, v6  }
0x101: {  	v60 =	vmul.f32 v1, v57;
	v4 =	vadd.f32 v58, v4;
	_ =	sdelay $0x1  }
0x102: {  	v4 =	vadd.f32 v60, v4;
	_ =	sdelay $0x1  }
0x103: {  	[tilespmem:v59+s11+$0x0] =	vst.idx.msk $0xffff, v4  }
0x104: {  	v4 =	vld [tilespmem:$0x19090]  }
0x105: {  	v61 =	vld [tilespmem:$0x19080]  }
0x106: {  	v7 =	vld [tilespmem:$0x190A0];
	_ =	sdelay $0x1  }
0x107: {  	v62 =	vld [tilespmem:$0x190B0]  }
0x108: {  	v2 =	vmul.f32 v2, v4;
	_ =	sdelay $0x1  }
0x109: {  	v3 =	vmul.f32 v3, v7;
	v2 =	vadd.f32 v2, v61  }
0x10a: {  	p0 =	sne.s32 s14, $0x1F0;
	v63 =	vor.u32 $0x100, v6  }
.Ltmp0:
0x10b: {  	v1 =	vmul.f32 v1, v62;
	v2 =	vadd.f32 v3, v2;
	(pc) =	sbr.rel @p0 .LBB2_2-.Ltmp0, $3  }
0x10c: {  	_ = 	snop  }
0x10d: {  	v1 =	vadd.f32 v1, v2;
	_ =	sdelay $0x1  }
0x10e: {  	s13 =	sadd.s32 $0x80, s13;
	s14 =	sadd.s32 $0x10, s14;
	[tilespmem:v63+s11+$0x0] =	vst.idx.msk $0xffff, v1  }
0x10f: {  	s12 =	sadd.s32 $0x1, s12  }
0x110: {  	p0 =	sne.s32 s12, s6  }
.Ltmp1:
0x111: {  	_ = 	snop;
	(pc) =	sbr.rel @p0 .LBB2_1-.Ltmp1, $4  }
0x112: {  	[hbm4b:s5+s2] =	stream.linear.scatter [tilespmem:s11], [sflag:$0x1], $0x800, $0x38;
	[tilespmem:$0x19900] =	vst v63  }
0x113: {  	_ =	swait.ge [sflag:s9], $0x800  }
0x114: {  	[sflag:s9] =	ssyncset.done $0x0  }
0x115: {  	[sflag:s9] =	ssyncadd.s32 $0xFFFFF800  }
0x116: {  	_ =	sfence.sel $0x180000  }
0x117: {  	[bflag:$0x0] =	sbarrier.arrive $0xFFFF  }
0x118: {  	p0 =	sne.s32 s1, $0x0;
	_ =	strace $0x90000047  }
0x119: {  	s0 =	sadd.s32 @!p0 $0x100000, s0;
	[bflag:$0x2] =	sbarrier.arrive $0xFFFF  }
0x11a: {  	[sflag:s0] =	ssyncadd.tile.s32 @!p0 $0x1;
	_ =	shalt  }
.Lfunc_end2:
_tile_overlayer_lowered:
.L_overlay_start_2:
0x11b: {  	(tag) =	ssettag $0x2  }
0x11c: {  	s0 =	rddreg [dreg:$0x0];
	s2 =	stileid.u32  }
0x11d: {  	s1 =	rddreg [dreg:$0x1];
	p0 =	sne.s32 s2, $0x0  }
0x11e: {  	s3 =	rddreg [dreg:$0x2];
	[bflag:$0x3] =	sbarrier.arrive $0xFFFF;
	s2 =	simm.s32 @!p0 $0x1C01  }
0x11f: {  	[timem:s3], [sflag:s2] =	dma.local @!p0 [hbm:s0], s1  }
0x120: {  	s0 =	simm.s32 @!p0 $0x1  }
0x121: {  	_ =	swait.ge @!p0 [sflag:s0], s1  }
0x122: {  	s1 =	ssub.s32 @!p0 $0x0, s1;
	[sflag:s0] =	ssyncset.done @!p0 $0x0  }
0x123: {  	[sflag:s0] =	ssyncadd.s32 @!p0 s1  }
0x124: {  	[bflag:$0x3] =	sbarrier.arrive $0xFFFF  }
0x125: {  	_ =	shalt  }

</sc_bundles>
